<compile_context>
chip_gen: v7x
topology: tpu7x:2x2x1
jax: 0.10.2.dev20260603
libtpu: 0.0.44.dev20260713+nightly
codegen_flags: <defaults>
</compile_context>

<pallas_src>
import functools

import numpy as np
import jax
import jax.numpy as jnp
from jax import lax
from jax.experimental import pallas as pl
from jax.experimental.pallas import tpu as pltpu
from jax.experimental.pallas import tpu_sc as plsc

_H = 40
_W = 40
_HW = _H * _W
_C = 512
_B = 8
_M = 32
_BM = _B * _M
_ROWS = _B * _HW
_PC_LO_X = -51.2
_PC_LO_Y = -51.2
_DIM_X = 102.4
_DIM_Y = 102.4
_CELL_X = np.float32(_DIM_X / _W)
_CELL_Y = np.float32(_DIM_Y / _H)
_RATIO_LO = 1.0
_RATIO_HI = 6.0

_NC = 2
_NS = 16
_L = 16
_NWORK = _NC * _NS
_SC_CH = 64
_SC_NCH = 1
_SC_RPW = _SC_CH * _SC_NCH
_SC_ROWS = _SC_RPW * _NWORK
_TC_ROWS = _ROWS - _SC_ROWS
_TC_RB = 512
_TC_NB = _TC_ROWS // _TC_RB

_ww, _hh = np.meshgrid(range(_W), range(_H))
_wwf = (_ww.reshape(-1).astype(np.float64) + 0.5) / _W * _DIM_X + _PC_LO_X
_hhf = (_hh.reshape(-1).astype(np.float64) + 0.5) / _H * _DIM_Y + _PC_LO_Y
_GRIDS = np.stack([_wwf, _hhf], 1).astype(np.float32)

_W_CNT = np.zeros((_BM, 2 * _BM), np.float32)
for _b in range(_B):
    _sl = slice(_b * _M, (_b + 1) * _M)
    _W_CNT[_sl, _sl] = 1.0
    _W_CNT[_sl, _BM + _b * _M:_BM + (_b + 1) * _M] = np.triu(
        np.ones((_M, _M), np.float32), 1)
_E_BCAST = np.zeros((_B, _BM), np.float32)
for _b in range(_B):
    _E_BCAST[_b, _b * _M:(_b + 1) * _M] = 1.0


def _var_sc_body(a_hbm, v_hbm, buf0, buf1, s1b, s2b, vout, sem0, sem1):
    c = lax.axis_index("c")
    s = lax.axis_index("s")
    wid = s * jnp.int32(_NC) + c
    base = wid * jnp.int32(_SC_RPW)
    bufs = (buf0, buf1)
    sems = (sem0, sem1)
    copies = [pltpu.async_copy(a_hbm.at[pl.ds(base, _SC_CH)], buf0, sem0)]
    for ch in range(_SC_NCH):
        if ch + 1 < _SC_NCH:
            rn = base + jnp.int32((ch + 1) * _SC_CH)
            copies.append(pltpu.async_copy(
                a_hbm.at[pl.ds(rn, _SC_CH)], bufs[(ch + 1) % 2],
                sems[(ch + 1) % 2]))
        copies[ch].wait()
        buf = bufs[ch % 2]

        def _row(r, carry):
            a1 = [None] * 4
            a2 = [None] * 4
            for j in range(_C // _L):
                xv = buf[r, pl.ds(j * _L, _L)]
                t = j % 4
                if a1[t] is None:
                    a1[t] = xv
                    a2[t] = xv * xv
                else:
                    a1[t] = a1[t] + xv
                    a2[t] = a2[t] + xv * xv
            acc1 = (a1[0] + a1[1]) + (a1[2] + a1[3])
            acc2 = (a2[0] + a2[1]) + (a2[2] + a2[3])
            rb = r * jnp.int32(_L)
            s1b[pl.ds(rb, _L)] = acc1
            s2b[pl.ds(rb, _L)] = acc2
            return carry

        lax.fori_loop(jnp.int32(0), jnp.int32(_SC_CH), _row, jnp.int32(0))

        for g in range(_SC_CH // _L):
            ridx = (lax.iota(jnp.int32, _L) + jnp.int32(g * _L)) * jnp.int32(_L)
            r1 = jnp.zeros((_L,), jnp.float32)
            r2 = jnp.zeros((_L,), jnp.float32)
            for j in range(_L):
                idx = ridx + jnp.int32(j)
                r1 = r1 + plsc.load_gather(s1b, [idx])
                r2 = r2 + plsc.load_gather(s2b, [idx])
            v = (r2 - r1 * r1 * (1.0 / _C)) * (1.0 / (_C - 1))
            vout[pl.ds(ch * _SC_CH + g * _L, _L)] = v
    pltpu.sync_copy(vout, v_hbm.at[pl.ds(base, _SC_RPW)])


def _var_sc(atten_head):
    mesh = plsc.VectorSubcoreMesh(core_axis_name="c", subcore_axis_name="s")
    run = functools.partial(
        pl.kernel,
        mesh=mesh,
        compiler_params=pltpu.CompilerParams(needs_layout_passes=False),
        out_type=jax.ShapeDtypeStruct((_SC_ROWS,), jnp.float32),
        scratch_types=[
            pltpu.VMEM((_SC_CH, _C), jnp.float32),
            pltpu.VMEM((_SC_CH, _C), jnp.float32),
            pltpu.VMEM((_SC_CH * _L,), jnp.float32),
            pltpu.VMEM((_SC_CH * _L,), jnp.float32),
            pltpu.VMEM((_SC_RPW,), jnp.float32),
            pltpu.SemaphoreType.DMA,
            pltpu.SemaphoreType.DMA,
        ],
    )(_var_sc_body)
    return run(atten_head)


def _var_tc_body(a_ref, v_ref):
    x = a_ref[0]
    s1 = jnp.sum(x, axis=1, keepdims=True)
    s2 = jnp.sum(x * x, axis=1, keepdims=True)
    v = (s2 - s1 * s1 * (1.0 / _C)) * (1.0 / (_C - 1))
    v_ref[...] = jnp.reshape(v, (1, _TC_RB, 1))


def _var_tc(atten_blocks):
    nsk = _SC_ROWS // _TC_RB
    return pl.pallas_call(
        _var_tc_body,
        grid=(_TC_NB,),
        in_specs=[
            pl.BlockSpec((1, _TC_RB, _C), lambda b: (b + nsk, b * 0, b * 0)),
        ],
        out_specs=pl.BlockSpec((1, _TC_RB, 1), lambda b: (b, b * 0, b * 0)),
        out_shape=jax.ShapeDtypeStruct((_TC_NB, _TC_RB, 1), jnp.float32),
    )(atten_blocks)


def _loss_body(vt_ref, p_ref, gr_ref, wc_ref, e_ref, out_ref):
    p = p_ref[...]
    cx = p[0:1]
    cy = p[1:2]
    dl = p[3:4]
    dw = p[4:5]
    yaw = p[6:7]
    rl = jnp.clip(_CELL_X / dl, _RATIO_LO, _RATIO_HI)
    rw = jnp.clip(_CELL_Y / dw, _RATIO_LO, _RATIO_HI)
    hx = 0.5 * dl * rl
    hy = 0.5 * dw * rw
    sn = jnp.sin(yaw)
    cs = jnp.cos(yaw)
    xs = []
    ys = []
    for sx, sy in ((-1.0, -1.0), (-1.0, 1.0), (1.0, 1.0), (1.0, -1.0)):
        lx = sx * hx
        ly = sy * hy
        xs.append(lx * cs - ly * sn + cx)
        ys.append(lx * sn + ly * cs + cy)

    gx = gr_ref[:, 0:1]
    gy = gr_ref[:, 1:2]
    all_ge = None
    all_le = None
    for k in range(4):
        kn = (k + 1) % 4
        ex = xs[kn] - xs[k]
        ey = ys[kn] - ys[k]
        cross = ex * (gy - ys[k]) - ey * (gx - xs[k])
        ge = cross >= 0.0
        le = cross <= 0.0
        all_ge = ge if all_ge is None else (all_ge & ge)
        all_le = le if all_le is None else (all_le & le)
    inside = all_ge | all_le

    d2 = (gx - cx) ** 2 + (gy - cy) ** 2
    mind = jnp.min(d2, axis=0, keepdims=True)
    cellf = jax.lax.broadcasted_iota(
        jnp.int32, (_HW, _BM), 0).astype(jnp.float32)
    cand = jnp.where(d2 == mind, cellf, float(_HW))
    mi = jnp.min(cand, axis=0, keepdims=True)
    posf = (inside | (cellf == mi)).astype(jnp.float32)

    both = jax.lax.dot(posf, wc_ref[...],
                       precision=jax.lax.Precision.HIGHEST)
    kib = both[:, :_BM]
    cgt = both[:, _BM:]
    odd = (kib - jnp.floor(kib * 0.5) * 2.0) == 1.0
    own = posf * (odd & (cgt == 0.0)).astype(jnp.float32)

    vrep = jax.lax.dot_general(
        vt_ref[...], e_ref[...], (((0,), (0,)), ((), ())),
        precision=jax.lax.Precision.HIGHEST)

    cnt = jnp.sum(own, axis=0, keepdims=True)
    vs = jnp.sum(own * vrep, axis=0, keepdims=True)
    has = cnt > 0.0
    contrib = jnp.where(has, vs / jnp.maximum(cnt, 1.0), 0.0)
    loss = -jnp.sum(contrib)
    posn = jnp.sum(has.astype(jnp.float32))
    out_ref[0, 0] = loss / jnp.maximum(posn, 1.0)


def _loss_tc(vb, params, grids, wc, eb):
    out = pl.pallas_call(
        _loss_body,
        out_specs=pl.BlockSpec(memory_space=pltpu.SMEM),
        out_shape=jax.ShapeDtypeStruct((1, 1), jnp.float32),
    )(vb, params, grids, wc, eb)
    return out[0, 0]


def kernel(atten_map, gt_bboxes):
    atten_flat = atten_map.reshape(_ROWS, _C)
    v_sc = _var_sc(atten_flat)
    v_tc = _var_tc(
        atten_flat.reshape(_ROWS // _TC_RB, _TC_RB, _C)).reshape(_TC_ROWS)
    vb = jnp.concatenate([v_sc, v_tc]).reshape(_B, _HW)
    params = jnp.transpose(gt_bboxes.astype(jnp.float32),
                           (2, 0, 1)).reshape(7, _BM)
    grids = jnp.asarray(_GRIDS)
    return _loss_tc(vb, params, grids, jnp.asarray(_W_CNT),
                    jnp.asarray(_E_BCAST))

# --- scband reference (transcript-rebuilt; emitter-appended) ---
"""Pipeline reference for scband-attention-constrained-loss-54855322304566 (READ-ONLY COPY).

The authoritative reference and input builder live on the scoring server;
editing this copy changes nothing except your own understanding.
"""

import jax, jax.numpy as jnp
import numpy as np

jax.config.update("jax_enable_x64", True)

NUM_CLASS = 10
QUERY_RES = [40, 40]
PC_RANGE = np.array([-51.2, -51.2, -5.0, 51.2, 51.2, 3.0], dtype=np.float64)
DIMS = PC_RANGE[3:] - PC_RANGE[:3]
EFFECTIVE_RATIO = [1.0, 6.0]
H, W = QUERY_RES[0], QUERY_RES[1]

_ww, _hh = np.meshgrid(range(W), range(H))
WW_L = _ww.reshape(-1).astype(np.int64)
HH_L = _hh.reshape(-1).astype(np.int64)
_wwf = (WW_L.astype(np.float64) + 0.5) / W * DIMS[0] + PC_RANGE[0]
_hhf = (HH_L.astype(np.float64) + 0.5) / H * DIMS[1] + PC_RANGE[1]
GRIDS_SENSOR = np.stack([_wwf, _hhf], 1)


def center_to_corner_box2d(centers, dims, angles):
    corners_norm = np.array([[-0.5, -0.5], [-0.5, 0.5], [0.5, 0.5], [0.5, -0.5]], dtype=np.float64)
    corners = dims[:, None, :] * corners_norm[None, :, :]
    rot_sin = jnp.sin(angles)
    rot_cos = jnp.cos(angles)
    rot_mat_T = jnp.stack([jnp.stack([rot_cos, rot_sin], -1), jnp.stack([-rot_sin, rot_cos], -1)], -2)
    corners = jnp.einsum('nij,njk->nik', corners, rot_mat_T)
    return corners + centers[:, None, :]


def points_in_convex_polygon(points, polygons):
    # points [P,2], polygons [K,4,2] -> bool [P,K]
    nxt = jnp.roll(polygons, -1, axis=1)
    edge = nxt - polygons
    d = points[:, None, None, :] - polygons[None, :, :, :]
    cross = edge[None, :, :, 0] * d[:, :, :, 1] - edge[None, :, :, 1] * d[:, :, :, 0]
    return jnp.logical_or((cross >= 0).all(-1), (cross <= 0).all(-1))


def find_grid_in_bbx_single(gt_bboxes):
    # gt_bboxes: traced [M, 7]; returns ownership flag over the H*W grid, [H*W] int32
    gt = gt_bboxes.astype(jnp.float64)
    rl = jnp.clip(DIMS[0] / W / gt[:, 3], EFFECTIVE_RATIO[0], EFFECTIVE_RATIO[1])
    rw = jnp.clip(DIMS[1] / H / gt[:, 4], EFFECTIVE_RATIO[0], EFFECTIVE_RATIO[1])
    eff_dims = jnp.stack([gt[:, 3] * rl, gt[:, 4] * rw], axis=1)
    corners = center_to_corner_box2d(gt[:, :2], eff_dims, gt[:, 6])
    grids = jnp.asarray(GRIDS_SENSOR)
    inside = points_in_convex_polygon(grids, corners)  # [H*W, M]
    dist = jnp.linalg.norm(grids[:, None, :] - gt[None, :, :2], axis=-1)  # [H*W, M]
    min_ind = jnp.argmin(dist, axis=0)  # [M]
    cell = jnp.arange(H * W)
    flag = jnp.full((H * W,), -1, dtype=jnp.int32)
    for i in range(gt_bboxes.shape[0]):
        pos = inside[:, i] | (cell == min_ind[i])
        # cell unclaimed -> assign to i; cell already claimed -> reset to -1
        flag = jnp.where(pos, jnp.where(flag == -1, jnp.int32(i), jnp.int32(-1)), flag)
    return flag


def compute_var_loss(atten_map_b, flag, num_boxes):
    var_loss = jnp.asarray(0.0, dtype=jnp.float32)
    var_pos_num = jnp.asarray(0.0, dtype=jnp.float32)
    v = jnp.var(atten_map_b, axis=1, ddof=1)  # [H*W]
    for i in range(num_boxes):
        mask = flag == i
        cnt = jnp.sum(mask)
        has = cnt > 0
        var = jnp.sum(jnp.where(mask, v, 0.0)) / jnp.maximum(cnt, 1).astype(v.dtype)
        var_loss = var_loss + jnp.where(has, 0.0 - var, 0.0)
        var_pos_num = var_pos_num + jnp.where(has, 1.0, 0.0)
    return var_loss, var_pos_num


def setup_inputs(seed: int = 0):
    key = jax.random.key(seed)
    k1, k2 = jax.random.split(key)
    atten_map = jax.random.uniform(k1, (8, 1600, 512), dtype=jnp.float32)
    raw = jax.random.uniform(k2, (8, 32, 7), dtype=jnp.float32)
    xy = (raw[..., 0:2] - 0.5) * 90.0
    z = raw[..., 2:3] * 2.0 - 3.0
    dxy = raw[..., 3:5] * 5.0 + 1.5
    dz = raw[..., 5:6] * 2.0 + 1.0
    yaw = (raw[..., 6:7] - 0.5) * 2.0 * np.pi
    gt_bboxes = jnp.concatenate([xy, z, dxy, dz, yaw], axis=-1)
    return {'atten_map': atten_map, 'gt_bboxes': gt_bboxes}


def reference(atten_map, gt_bboxes):
    var_loss = jnp.asarray(0.0, dtype=jnp.float32)
    var_pos_num = jnp.asarray(0.0, dtype=jnp.float32)
    num_boxes = gt_bboxes.shape[1]
    for b in range(gt_bboxes.shape[0]):
        if num_boxes > 0:
            flag = find_grid_in_bbx_single(gt_bboxes[b])
            temp_var_loss, temp_var_pos_num = compute_var_loss(atten_map[b], flag, num_boxes)
            var_loss = var_loss + temp_var_loss
            var_pos_num = var_pos_num + temp_var_pos_num
    var_pos_num = jnp.maximum(var_pos_num, 1.0)
    norm_var_loss = var_loss * 1.0 / var_pos_num
    return norm_var_loss

if __name__ == "__main__":
    import jax
    _d = setup_inputs()
    print(jax.jit(kernel)(*tuple(_d.values())))

</pallas_src>

<mosaic_0001>
#map = affine_map<(d0, d1) -> (0, 0)>
#map1 = affine_map<(d0, d1) -> (0)>
module attributes {stable_mosaic.version = 14 : i64} {
  func.func @_var_sc_body(%arg0: i32, %arg1: i32, %arg2: memref<12800x512xf32, #tpu.memory_space<hbm>>, %arg3: memref<2048xf32, #tpu.memory_space<hbm>>, %arg4: memref<64x512xf32, #tpu.memory_space<vmem>>, %arg5: memref<64x512xf32, #tpu.memory_space<vmem>>, %arg6: memref<1024xf32, #tpu.memory_space<vmem>>, %arg7: memref<1024xf32, #tpu.memory_space<vmem>>, %arg8: memref<64xf32, #tpu.memory_space<vmem>>, %arg9: memref<!tpu.dma_semaphore, #tpu.memory_space<semaphore_mem>>, %arg10: memref<!tpu.dma_semaphore, #tpu.memory_space<semaphore_mem>>) attributes {dimension_semantics = [#tpu.dimension_semantics<core_parallel>, #tpu.dimension_semantics<subcore_parallel>], iteration_bounds = array<i64: 2, 16>, scalar_prefetch = 0 : i64, scratch_operands = 7 : i64, tpu.core_type = #tpu.core_type<sc_vector_subcore>, window_params = [{transform_indices = #map}, {transform_indices = #map1}]} {
    %mul3A = arith.constant 2 : i32
    %mul3A_0 = arith.muli %arg1, %mul3A : i32
    %add3A = arith.addi %mul3A_0, %arg0 : i32
    %mul3A_1 = arith.constant 64 : i32
    %mul3A_2 = arith.muli %add3A, %mul3A_1 : i32
    %dma_start3A = arith.constant 0 : i32
    %dma_start3A_3 = tpu.memref_slice %arg2[%mul3A_2, %dma_start3A] : memref<12800x512xf32, #tpu.memory_space<hbm>> -> memref<64x512xf32, #tpu.memory_space<hbm>>
    %dma_start3A_4 = arith.constant 0 : i32
    %dma_start3A_5 = tpu.memref_slice %arg2[%mul3A_2, %dma_start3A_4] : memref<12800x512xf32, #tpu.memory_space<hbm>> -> memref<64x512xf32, #tpu.memory_space<hbm>>
    tpu.enqueue_dma source(%dma_start3A_5 : memref<64x512xf32, #tpu.memory_space<hbm>>) target(%arg4 : memref<64x512xf32, #tpu.memory_space<vmem>>) target_semaphore(%arg9 : memref<!tpu.dma_semaphore, #tpu.memory_space<semaphore_mem>>)
    %dma_wait3A = arith.constant 0 : i32
    %dma_wait3A_6 = tpu.memref_slice %arg2[%mul3A_2, %dma_wait3A] : memref<12800x512xf32, #tpu.memory_space<hbm>> -> memref<64x512xf32, #tpu.memory_space<hbm>>
    %dma_wait3A_7 = arith.constant 0 : i32
    %dma_wait3A_8 = tpu.memref_slice %arg2[%mul3A_2, %dma_wait3A_7] : memref<12800x512xf32, #tpu.memory_space<hbm>> -> memref<64x512xf32, #tpu.memory_space<hbm>>
    tpu.wait_dma2 semaphore(%arg9 : memref<!tpu.dma_semaphore, #tpu.memory_space<semaphore_mem>>) src(%dma_wait3A_8 : memref<64x512xf32, #tpu.memory_space<hbm>>) dst(%arg4 : memref<64x512xf32, #tpu.memory_space<vmem>>)
    %while3A = arith.constant 0 : i32
    %while3A_9 = arith.constant 0 : i32
    %while3A_10 = arith.constant 64 : i32
    %while3A_11 = arith.subi %while3A_10, %while3A_9 : i32
    %while3A_12 = arith.addi %while3A_9, %while3A_11 : i32
    %while3A_13 = arith.constant 1 : i32
    %while3A_14 = arith.divsi %while3A_11, %while3A_13 : i32
    %while3A_15 = arith.muli %while3A_14, %while3A_13 : i32
    %while3A_16 = arith.addi %while3A_9, %while3A_15 : i32
    %while3A_17 = arith.constant 1 : i32
    scf.for %while3A_546 = %while3A_9 to %while3A_16 step %while3A_17  : i32 {
      %get3A = arith.index_cast %while3A_546 : i32 to index
      %get3A_547 = arith.constant 0 : index
      %get3A_548 = tpu.vector_load %arg4[%get3A, %get3A_547] {strides = array<i32>} : memref<64x512xf32, #tpu.memory_space<vmem>>, vector<16xf32>,
      %mul3A_549 = arith.mulf %get3A_548, %get3A_548 : vector<16xf32>
      %get3A_550 = arith.index_cast %while3A_546 : i32 to index
      %get3A_551 = arith.constant 16 : index
      %get3A_552 = tpu.vector_load %arg4[%get3A_550, %get3A_551] {strides = array<i32>} : memref<64x512xf32, #tpu.memory_space<vmem>>, vector<16xf32>,
      %mul3A_553 = arith.mulf %get3A_552, %get3A_552 : vector<16xf32>
      %get3A_554 = arith.index_cast %while3A_546 : i32 to index
      %get3A_555 = arith.constant 32 : index
      %get3A_556 = tpu.vector_load %arg4[%get3A_554, %get3A_555] {strides = array<i32>} : memref<64x512xf32, #tpu.memory_space<vmem>>, vector<16xf32>,
      %mul3A_557 = arith.mulf %get3A_556, %get3A_556 : vector<16xf32>
      %get3A_558 = arith.index_cast %while3A_546 : i32 to index
      %get3A_559 = arith.constant 48 : index
      %get3A_560 = tpu.vector_load %arg4[%get3A_558, %get3A_559] {strides = array<i32>} : memref<64x512xf32, #tpu.memory_space<vmem>>, vector<16xf32>,
      %mul3A_561 = arith.mulf %get3A_560, %get3A_560 : vector<16xf32>
      %get3A_562 = arith.index_cast %while3A_546 : i32 to index
      %get3A_563 = arith.constant 64 : index
      %get3A_564 = tpu.vector_load %arg4[%get3A_562, %get3A_563] {strides = array<i32>} : memref<64x512xf32, #tpu.memory_space<vmem>>, vector<16xf32>,
      %add3A_565 = arith.addf %get3A_548, %get3A_564 : vector<16xf32>
      %mul3A_566 = arith.mulf %get3A_564, %get3A_564 : vector<16xf32>
      %add3A_567 = arith.addf %mul3A_549, %mul3A_566 : vector<16xf32>
      %get3A_568 = arith.index_cast %while3A_546 : i32 to index
      %get3A_569 = arith.constant 80 : index
      %get3A_570 = tpu.vector_load %arg4[%get3A_568, %get3A_569] {strides = array<i32>} : memref<64x512xf32, #tpu.memory_space<vmem>>, vector<16xf32>,
      %add3A_571 = arith.addf %get3A_552, %get3A_570 : vector<16xf32>
      %mul3A_572 = arith.mulf %get3A_570, %get3A_570 : vector<16xf32>
      %add3A_573 = arith.addf %mul3A_553, %mul3A_572 : vector<16xf32>
      %get3A_574 = arith.index_cast %while3A_546 : i32 to index
      %get3A_575 = arith.constant 96 : index
      %get3A_576 = tpu.vector_load %arg4[%get3A_574, %get3A_575] {strides = array<i32>} : memref<64x512xf32, #tpu.memory_space<vmem>>, vector<16xf32>,
      %add3A_577 = arith.addf %get3A_556, %get3A_576 : vector<16xf32>
      %mul3A_578 = arith.mulf %get3A_576, %get3A_576 : vector<16xf32>
      %add3A_579 = arith.addf %mul3A_557, %mul3A_578 : vector<16xf32>
      %get3A_580 = arith.index_cast %while3A_546 : i32 to index
      %get3A_581 = arith.constant 112 : index
      %get3A_582 = tpu.vector_load %arg4[%get3A_580, %get3A_581] {strides = array<i32>} : memref<64x512xf32, #tpu.memory_space<vmem>>, vector<16xf32>,
      %add3A_583 = arith.addf %get3A_560, %get3A_582 : vector<16xf32>
      %mul3A_584 = arith.mulf %get3A_582, %get3A_582 : vector<16xf32>
      %add3A_585 = arith.addf %mul3A_561, %mul3A_584 : vector<16xf32>
      %get3A_586 = arith.index_cast %while3A_546 : i32 to index
      %get3A_587 = arith.constant 128 : index
      %get3A_588 = tpu.vector_load %arg4[%get3A_586, %get3A_587] {strides = array<i32>} : memref<64x512xf32, #tpu.memory_space<vmem>>, vector<16xf32>,
      %add3A_589 = arith.addf %add3A_565, %get3A_588 : vector<16xf32>
      %mul3A_590 = arith.mulf %get3A_588, %get3A_588 : vector<16xf32>
      %add3A_591 = arith.addf %add3A_567, %mul3A_590 : vector<16xf32>
      %get3A_592 = arith.index_cast %while3A_546 : i32 to index
      %get3A_593 = arith.constant 144 : index
      %get3A_594 = tpu.vector_load %arg4[%get3A_592, %get3A_593] {strides = array<i32>} : memref<64x512xf32, #tpu.memory_space<vmem>>, vector<16xf32>,
      %add3A_595 = arith.addf %add3A_571, %get3A_594 : vector<16xf32>
      %mul3A_596 = arith.mulf %get3A_594, %get3A_594 : vector<16xf32>
      %add3A_597 = arith.addf %add3A_573, %mul3A_596 : vector<16xf32>
      %get3A_598 = arith.index_cast %while3A_546 : i32 to index
      %get3A_599 = arith.constant 160 : index
      %get3A_600 = tpu.vector_load %arg4[%get3A_598, %get3A_599] {strides = array<i32>} : memref<64x512xf32, #tpu.memory_space<vmem>>, vector<16xf32>,
      %add3A_601 = arith.addf %add3A_577, %get3A_600 : vector<16xf32>
      %mul3A_602 = arith.mulf %get3A_600, %get3A_600 : vector<16xf32>
      %add3A_603 = arith.addf %add3A_579, %mul3A_602 : vector<16xf32>
      %get3A_604 = arith.index_cast %while3A_546 : i32 to index
      %get3A_605 = arith.constant 176 : index
      %get3A_606 = tpu.vector_load %arg4[%get3A_604, %get3A_605] {strides = array<i32>} : memref<64x512xf32, #tpu.memory_space<vmem>>, vector<16xf32>,
      %add3A_607 = arith.addf %add3A_583, %get3A_606 : vector<16xf32>
      %mul3A_608 = arith.mulf %get3A_606, %get3A_606 : vector<16xf32>
      %add3A_609 = arith.addf %add3A_585, %mul3A_608 : vector<16xf32>
      %get3A_610 = arith.index_cast %while3A_546 : i32 to index
      %get3A_611 = arith.constant 192 : index
      %get3A_612 = tpu.vector_load %arg4[%get3A_610, %get3A_611] {strides = array<i32>} : memref<64x512xf32, #tpu.memory_space<vmem>>, vector<16xf32>,
      %add3A_613 = arith.addf %add3A_589, %get3A_612 : vector<16xf32>
      %mul3A_614 = arith.mulf %get3A_612, %get3A_612 : vector<16xf32>
      %add3A_615 = arith.addf %add3A_591, %mul3A_614 : vector<16xf32>
      %get3A_616 = arith.index_cast %while3A_546 : i32 to index
      %get3A_617 = arith.constant 208 : index
      %get3A_618 = tpu.vector_load %arg4[%get3A_616, %get3A_617] {strides = array<i32>} : memref<64x512xf32, #tpu.memory_space<vmem>>, vector<16xf32>,
      %add3A_619 = arith.addf %add3A_595, %get3A_618 : vector<16xf32>
      %mul3A_620 = arith.mulf %get3A_618, %get3A_618 : vector<16xf32>
      %add3A_621 = arith.addf %add3A_597, %mul3A_620 : vector<16xf32>
      %get3A_622 = arith.index_cast %while3A_546 : i32 to index
      %get3A_623 = arith.constant 224 : index
      %get3A_624 = tpu.vector_load %arg4[%get3A_622, %get3A_623] {strides = array<i32>} : memref<64x512xf32, #tpu.memory_space<vmem>>, vector<16xf32>,
      %add3A_625 = arith.addf %add3A_601, %get3A_624 : vector<16xf32>
      %mul3A_626 = arith.mulf %get3A_624, %get3A_624 : vector<16xf32>
      %add3A_627 = arith.addf %add3A_603, %mul3A_626 : vector<16xf32>
      %get3A_628 = arith.index_cast %while3A_546 : i32 to index
      %get3A_629 = arith.constant 240 : index
      %get3A_630 = tpu.vector_load %arg4[%get3A_628, %get3A_629] {strides = array<i32>} : memref<64x512xf32, #tpu.memory_space<vmem>>, vector<16xf32>,
      %add3A_631 = arith.addf %add3A_607, %get3A_630 : vector<16xf32>
      %mul3A_632 = arith.mulf %get3A_630, %get3A_630 : vector<16xf32>
      %add3A_633 = arith.addf %add3A_609, %mul3A_632 : vector<16xf32>
      %get3A_634 = arith.index_cast %while3A_546 : i32 to index
      %get3A_635 = arith.constant 256 : index
      %get3A_636 = tpu.vector_load %arg4[%get3A_634, %get3A_635] {strides = array<i32>} : memref<64x512xf32, #tpu.memory_space<vmem>>, vector<16xf32>,
      %add3A_637 = arith.addf %add3A_613, %get3A_636 : vector<16xf32>
      %mul3A_638 = arith.mulf %get3A_636, %get3A_636 : vector<16xf32>
      %add3A_639 = arith.addf %add3A_615, %mul3A_638 : vector<16xf32>
      %get3A_640 = arith.index_cast %while3A_546 : i32 to index
      %get3A_641 = arith.constant 272 : index
      %get3A_642 = tpu.vector_load %arg4[%get3A_640, %get3A_641] {strides = array<i32>} : memref<64x512xf32, #tpu.memory_space<vmem>>, vector<16xf32>,
      %add3A_643 = arith.addf %add3A_619, %get3A_642 : vector<16xf32>
      %mul3A_644 = arith.mulf %get3A_642, %get3A_642 : vector<16xf32>
      %add3A_645 = arith.addf %add3A_621, %mul3A_644 : vector<16xf32>
      %get3A_646 = arith.index_cast %while3A_546 : i32 to index
      %get3A_647 = arith.constant 288 : index
      %get3A_648 = tpu.vector_load %arg4[%get3A_646, %get3A_647] {strides = array<i32>} : memref<64x512xf32, #tpu.memory_space<vmem>>, vector<16xf32>,
      %add3A_649 = arith.addf %add3A_625, %get3A_648 : vector<16xf32>
      %mul3A_650 = arith.mulf %get3A_648, %get3A_648 : vector<16xf32>
      %add3A_651 = arith.addf %add3A_627, %mul3A_650 : vector<16xf32>
      %get3A_652 = arith.index_cast %while3A_546 : i32 to index
      %get3A_653 = arith.constant 304 : index
      %get3A_654 = tpu.vector_load %arg4[%get3A_652, %get3A_653] {strides = array<i32>} : memref<64x512xf32, #tpu.memory_space<vmem>>, vector<16xf32>,
      %add3A_655 = arith.addf %add3A_631, %get3A_654 : vector<16xf32>
      %mul3A_656 = arith.mulf %get3A_654, %get3A_654 : vector<16xf32>
      %add3A_657 = arith.addf %add3A_633, %mul3A_656 : vector<16xf32>
      %get3A_658 = arith.index_cast %while3A_546 : i32 to index
      %get3A_659 = arith.constant 320 : index
      %get3A_660 = tpu.vector_load %arg4[%get3A_658, %get3A_659] {strides = array<i32>} : memref<64x512xf32, #tpu.memory_space<vmem>>, vector<16xf32>,
      %add3A_661 = arith.addf %add3A_637, %get3A_660 : vector<16xf32>
      %mul3A_662 = arith.mulf %get3A_660, %get3A_660 : vector<16xf32>
      %add3A_663 = arith.addf %add3A_639, %mul3A_662 : vector<16xf32>
      %get3A_664 = arith.index_cast %while3A_546 : i32 to index
      %get3A_665 = arith.constant 336 : index
      %get3A_666 = tpu.vector_load %arg4[%get3A_664, %get3A_665] {strides = array<i32>} : memref<64x512xf32, #tpu.memory_space<vmem>>, vector<16xf32>,
      %add3A_667 = arith.addf %add3A_643, %get3A_666 : vector<16xf32>
      %mul3A_668 = arith.mulf %get3A_666, %get3A_666 : vector<16xf32>
      %add3A_669 = arith.addf %add3A_645, %mul3A_668 : vector<16xf32>
      %get3A_670 = arith.index_cast %while3A_546 : i32 to index
      %get3A_671 = arith.constant 352 : index
      %get3A_672 = tpu.vector_load %arg4[%get3A_670, %get3A_671] {strides = array<i32>} : memref<64x512xf32, #tpu.memory_space<vmem>>, vector<16xf32>,
      %add3A_673 = arith.addf %add3A_649, %get3A_672 : vector<16xf32>
      %mul3A_674 = arith.mulf %get3A_672, %get3A_672 : vector<16xf32>
      %add3A_675 = arith.addf %add3A_651, %mul3A_674 : vector<16xf32>
      %get3A_676 = arith.index_cast %while3A_546 : i32 to index
      %get3A_677 = arith.constant 368 : index
      %get3A_678 = tpu.vector_load %arg4[%get3A_676, %get3A_677] {strides = array<i32>} : memref<64x512xf32, #tpu.memory_space<vmem>>, vector<16xf32>,
      %add3A_679 = arith.addf %add3A_655, %get3A_678 : vector<16xf32>
      %mul3A_680 = arith.mulf %get3A_678, %get3A_678 : vector<16xf32>
      %add3A_681 = arith.addf %add3A_657, %mul3A_680 : vector<16xf32>
      %get3A_682 = arith.index_cast %while3A_546 : i32 to index
      %get3A_683 = arith.constant 384 : index
      %get3A_684 = tpu.vector_load %arg4[%get3A_682, %get3A_683] {strides = array<i32>} : memref<64x512xf32, #tpu.memory_space<vmem>>, vector<16xf32>,
      %add3A_685 = arith.addf %add3A_661, %get3A_684 : vector<16xf32>
      %mul3A_686 = arith.mulf %get3A_684, %get3A_684 : vector<16xf32>
      %add3A_687 = arith.addf %add3A_663, %mul3A_686 : vector<16xf32>
      %get3A_688 = arith.index_cast %while3A_546 : i32 to index
      %get3A_689 = arith.constant 400 : index
      %get3A_690 = tpu.vector_load %arg4[%get3A_688, %get3A_689] {strides = array<i32>} : memref<64x512xf32, #tpu.memory_space<vmem>>, vector<16xf32>,
      %add3A_691 = arith.addf %add3A_667, %get3A_690 : vector<16xf32>
      %mul3A_692 = arith.mulf %get3A_690, %get3A_690 : vector<16xf32>
      %add3A_693 = arith.addf %add3A_669, %mul3A_692 : vector<16xf32>
      %get3A_694 = arith.index_cast %while3A_546 : i32 to index
      %get3A_695 = arith.constant 416 : index
      %get3A_696 = tpu.vector_load %arg4[%get3A_694, %get3A_695] {strides = array<i32>} : memref<64x512xf32, #tpu.memory_space<vmem>>, vector<16xf32>,
      %add3A_697 = arith.addf %add3A_673, %get3A_696 : vector<16xf32>
      %mul3A_698 = arith.mulf %get3A_696, %get3A_696 : vector<16xf32>
      %add3A_699 = arith.addf %add3A_675, %mul3A_698 : vector<16xf32>
      %get3A_700 = arith.index_cast %while3A_546 : i32 to index
      %get3A_701 = arith.constant 432 : index
      %get3A_702 = tpu.vector_load %arg4[%get3A_700, %get3A_701] {strides = array<i32>} : memref<64x512xf32, #tpu.memory_space<vmem>>, vector<16xf32>,
      %add3A_703 = arith.addf %add3A_679, %get3A_702 : vector<16xf32>
      %mul3A_704 = arith.mulf %get3A_702, %get3A_702 : vector<16xf32>
      %add3A_705 = arith.addf %add3A_681, %mul3A_704 : vector<16xf32>
      %get3A_706 = arith.index_cast %while3A_546 : i32 to index
      %get3A_707 = arith.constant 448 : index
      %get3A_708 = tpu.vector_load %arg4[%get3A_706, %get3A_707] {strides = array<i32>} : memref<64x512xf32, #tpu.memory_space<vmem>>, vector<16xf32>,
      %add3A_709 = arith.addf %add3A_685, %get3A_708 : vector<16xf32>
      %mul3A_710 = arith.mulf %get3A_708, %get3A_708 : vector<16xf32>
      %add3A_711 = arith.addf %add3A_687, %mul3A_710 : vector<16xf32>
      %get3A_712 = arith.index_cast %while3A_546 : i32 to index
      %get3A_713 = arith.constant 464 : index
      %get3A_714 = tpu.vector_load %arg4[%get3A_712, %get3A_713] {strides = array<i32>} : memref<64x512xf32, #tpu.memory_space<vmem>>, vector<16xf32>,
      %add3A_715 = arith.addf %add3A_691, %get3A_714 : vector<16xf32>
      %mul3A_716 = arith.mulf %get3A_714, %get3A_714 : vector<16xf32>
      %add3A_717 = arith.addf %add3A_693, %mul3A_716 : vector<16xf32>
      %get3A_718 = arith.index_cast %while3A_546 : i32 to index
      %get3A_719 = arith.constant 480 : index
      %get3A_720 = tpu.vector_load %arg4[%get3A_718, %get3A_719] {strides = array<i32>} : memref<64x512xf32, #tpu.memory_space<vmem>>, vector<16xf32>,
      %add3A_721 = arith.addf %add3A_697, %get3A_720 : vector<16xf32>
      %mul3A_722 = arith.mulf %get3A_720, %get3A_720 : vector<16xf32>
      %add3A_723 = arith.addf %add3A_699, %mul3A_722 : vector<16xf32>
      %get3A_724 = arith.index_cast %while3A_546 : i32 to index
      %get3A_725 = arith.constant 496 : index
      %get3A_726 = tpu.vector_load %arg4[%get3A_724, %get3A_725] {strides = array<i32>} : memref<64x512xf32, #tpu.memory_space<vmem>>, vector<16xf32>,
      %add3A_727 = arith.addf %add3A_703, %get3A_726 : vector<16xf32>
      %mul3A_728 = arith.mulf %get3A_726, %get3A_726 : vector<16xf32>
      %add3A_729 = arith.addf %add3A_705, %mul3A_728 : vector<16xf32>
      %add3A_730 = arith.addf %add3A_709, %add3A_715 : vector<16xf32>
      %add3A_731 = arith.addf %add3A_721, %add3A_727 : vector<16xf32>
      %add3A_732 = arith.addf %add3A_730, %add3A_731 : vector<16xf32>
      %add3A_733 = arith.addf %add3A_711, %add3A_717 : vector<16xf32>
      %add3A_734 = arith.addf %add3A_723, %add3A_729 : vector<16xf32>
      %add3A_735 = arith.addf %add3A_733, %add3A_734 : vector<16xf32>
      %mul3A_736 = arith.constant 16 : i32
      %mul3A_737 = arith.muli %while3A_546, %mul3A_736 : i32
      %swap3A_738 = arith.index_cast %mul3A_737 : i32 to index
      %swap3A_739 = tpu.vector_load %arg6[%swap3A_738] {strides = array<i32>} : memref<1024xf32, #tpu.memory_space<vmem>>, vector<16xf32>,
      tpu.vector_store %arg6[%swap3A_738], %add3A_732 {strides = array<i32>} : memref<1024xf32, #tpu.memory_space<vmem>>, vector<16xf32>,
      %swap3A_740 = arith.index_cast %mul3A_737 : i32 to index
      %swap3A_741 = tpu.vector_load %arg7[%swap3A_740] {strides = array<i32>} : memref<1024xf32, #tpu.memory_space<vmem>>, vector<16xf32>,
      tpu.vector_store %arg7[%swap3A_740], %add3A_735 {strides = array<i32>} : memref<1024xf32, #tpu.memory_space<vmem>>, vector<16xf32>,
    }
    %while3A_18 = arith.constant 1 : i32
    scf.for %while3A_546 = %while3A_16 to %while3A_12 step %while3A_18  : i32 {
      %get3A = arith.index_cast %while3A_546 : i32 to index
      %get3A_547 = arith.constant 0 : index
      %get3A_548 = tpu.vector_load %arg4[%get3A, %get3A_547] {strides = array<i32>} : memref<64x512xf32, #tpu.memory_space<vmem>>, vector<16xf32>,
      %mul3A_549 = arith.mulf %get3A_548, %get3A_548 : vector<16xf32>
      %get3A_550 = arith.index_cast %while3A_546 : i32 to index
      %get3A_551 = arith.constant 16 : index
      %get3A_552 = tpu.vector_load %arg4[%get3A_550, %get3A_551] {strides = array<i32>} : memref<64x512xf32, #tpu.memory_space<vmem>>, vector<16xf32>,
      %mul3A_553 = arith.mulf %get3A_552, %get3A_552 : vector<16xf32>
      %get3A_554 = arith.index_cast %while3A_546 : i32 to index
      %get3A_555 = arith.constant 32 : index
      %get3A_556 = tpu.vector_load %arg4[%get3A_554, %get3A_555] {strides = array<i32>} : memref<64x512xf32, #tpu.memory_space<vmem>>, vector<16xf32>,
      %mul3A_557 = arith.mulf %get3A_556, %get3A_556 : vector<16xf32>
      %get3A_558 = arith.index_cast %while3A_546 : i32 to index
      %get3A_559 = arith.constant 48 : index
      %get3A_560 = tpu.vector_load %arg4[%get3A_558, %get3A_559] {strides = array<i32>} : memref<64x512xf32, #tpu.memory_space<vmem>>, vector<16xf32>,
      %mul3A_561 = arith.mulf %get3A_560, %get3A_560 : vector<16xf32>
      %get3A_562 = arith.index_cast %while3A_546 : i32 to index
      %get3A_563 = arith.constant 64 : index
      %get3A_564 = tpu.vector_load %arg4[%get3A_562, %get3A_563] {strides = array<i32>} : memref<64x512xf32, #tpu.memory_space<vmem>>, vector<16xf32>,
      %add3A_565 = arith.addf %get3A_548, %get3A_564 : vector<16xf32>
      %mul3A_566 = arith.mulf %get3A_564, %get3A_564 : vector<16xf32>
      %add3A_567 = arith.addf %mul3A_549, %mul3A_566 : vector<16xf32>
      %get3A_568 = arith.index_cast %while3A_546 : i32 to index
      %get3A_569 = arith.constant 80 : index
      %get3A_570 = tpu.vector_load %arg4[%get3A_568, %get3A_569] {strides = array<i32>} : memref<64x512xf32, #tpu.memory_space<vmem>>, vector<16xf32>,
      %add3A_571 = arith.addf %get3A_552, %get3A_570 : vector<16xf32>
      %mul3A_572 = arith.mulf %get3A_570, %get3A_570 : vector<16xf32>
      %add3A_573 = arith.addf %mul3A_553, %mul3A_572 : vector<16xf32>
      %get3A_574 = arith.index_cast %while3A_546 : i32 to index
      %get3A_575 = arith.constant 96 : index
      %get3A_576 = tpu.vector_load %arg4[%get3A_574, %get3A_575] {strides = array<i32>} : memref<64x512xf32, #tpu.memory_space<vmem>>, vector<16xf32>,
      %add3A_577 = arith.addf %get3A_556, %get3A_576 : vector<16xf32>
      %mul3A_578 = arith.mulf %get3A_576, %get3A_576 : vector<16xf32>
      %add3A_579 = arith.addf %mul3A_557, %mul3A_578 : vector<16xf32>
      %get3A_580 = arith.index_cast %while3A_546 : i32 to index
      %get3A_581 = arith.constant 112 : index
      %get3A_582 = tpu.vector_load %arg4[%get3A_580, %get3A_581] {strides = array<i32>} : memref<64x512xf32, #tpu.memory_space<vmem>>, vector<16xf32>,
      %add3A_583 = arith.addf %get3A_560, %get3A_582 : vector<16xf32>
      %mul3A_584 = arith.mulf %get3A_582, %get3A_582 : vector<16xf32>
      %add3A_585 = arith.addf %mul3A_561, %mul3A_584 : vector<16xf32>
      %get3A_586 = arith.index_cast %while3A_546 : i32 to index
      %get3A_587 = arith.constant 128 : index
      %get3A_588 = tpu.vector_load %arg4[%get3A_586, %get3A_587] {strides = array<i32>} : memref<64x512xf32, #tpu.memory_space<vmem>>, vector<16xf32>,
      %add3A_589 = arith.addf %add3A_565, %get3A_588 : vector<16xf32>
      %mul3A_590 = arith.mulf %get3A_588, %get3A_588 : vector<16xf32>
      %add3A_591 = arith.addf %add3A_567, %mul3A_590 : vector<16xf32>
      %get3A_592 = arith.index_cast %while3A_546 : i32 to index
      %get3A_593 = arith.constant 144 : index
      %get3A_594 = tpu.vector_load %arg4[%get3A_592, %get3A_593] {strides = array<i32>} : memref<64x512xf32, #tpu.memory_space<vmem>>, vector<16xf32>,
      %add3A_595 = arith.addf %add3A_571, %get3A_594 : vector<16xf32>
      %mul3A_596 = arith.mulf %get3A_594, %get3A_594 : vector<16xf32>
      %add3A_597 = arith.addf %add3A_573, %mul3A_596 : vector<16xf32>
      %get3A_598 = arith.index_cast %while3A_546 : i32 to index
      %get3A_599 = arith.constant 160 : index
      %get3A_600 = tpu.vector_load %arg4[%get3A_598, %get3A_599] {strides = array<i32>} : memref<64x512xf32, #tpu.memory_space<vmem>>, vector<16xf32>,
      %add3A_601 = arith.addf %add3A_577, %get3A_600 : vector<16xf32>
      %mul3A_602 = arith.mulf %get3A_600, %get3A_600 : vector<16xf32>
      %add3A_603 = arith.addf %add3A_579, %mul3A_602 : vector<16xf32>
      %get3A_604 = arith.index_cast %while3A_546 : i32 to index
      %get3A_605 = arith.constant 176 : index
      %get3A_606 = tpu.vector_load %arg4[%get3A_604, %get3A_605] {strides = array<i32>} : memref<64x512xf32, #tpu.memory_space<vmem>>, vector<16xf32>,
      %add3A_607 = arith.addf %add3A_583, %get3A_606 : vector<16xf32>
      %mul3A_608 = arith.mulf %get3A_606, %get3A_606 : vector<16xf32>
      %add3A_609 = arith.addf %add3A_585, %mul3A_608 : vector<16xf32>
      %get3A_610 = arith.index_cast %while3A_546 : i32 to index
      %get3A_611 = arith.constant 192 : index
      %get3A_612 = tpu.vector_load %arg4[%get3A_610, %get3A_611] {strides = array<i32>} : memref<64x512xf32, #tpu.memory_space<vmem>>, vector<16xf32>,
      %add3A_613 = arith.addf %add3A_589, %get3A_612 : vector<16xf32>
      %mul3A_614 = arith.mulf %get3A_612, %get3A_612 : vector<16xf32>
      %add3A_615 = arith.addf %add3A_591, %mul3A_614 : vector<16xf32>
      %get3A_616 = arith.index_cast %while3A_546 : i32 to index
      %get3A_617 = arith.constant 208 : index
      %get3A_618 = tpu.vector_load %arg4[%get3A_616, %get3A_617] {strides = array<i32>} : memref<64x512xf32, #tpu.memory_space<vmem>>, vector<16xf32>,
      %add3A_619 = arith.addf %add3A_595, %get3A_618 : vector<16xf32>
      %mul3A_620 = arith.mulf %get3A_618, %get3A_618 : vector<16xf32>
      %add3A_621 = arith.addf %add3A_597, %mul3A_620 : vector<16xf32>
      %get3A_622 = arith.index_cast %while3A_546 : i32 to index
      %get3A_623 = arith.constant 224 : index
      %get3A_624 = tpu.vector_load %arg4[%get3A_622, %get3A_623] {strides = array<i32>} : memref<64x512xf32, #tpu.memory_space<vmem>>, vector<16xf32>,
      %add3A_625 = arith.addf %add3A_601, %get3A_624 : vector<16xf32>
      %mul3A_626 = arith.mulf %get3A_624, %get3A_624 : vector<16xf32>
      %add3A_627 = arith.addf %add3A_603, %mul3A_626 : vector<16xf32>
      %get3A_628 = arith.index_cast %while3A_546 : i32 to index
      %get3A_629 = arith.constant 240 : index
      %get3A_630 = tpu.vector_load %arg4[%get3A_628, %get3A_629] {strides = array<i32>} : memref<64x512xf32, #tpu.memory_space<vmem>>, vector<16xf32>,
      %add3A_631 = arith.addf %add3A_607, %get3A_630 : vector<16xf32>
      %mul3A_632 = arith.mulf %get3A_630, %get3A_630 : vector<16xf32>
      %add3A_633 = arith.addf %add3A_609, %mul3A_632 : vector<16xf32>
      %get3A_634 = arith.index_cast %while3A_546 : i32 to index
      %get3A_635 = arith.constant 256 : index
      %get3A_636 = tpu.vector_load %arg4[%get3A_634, %get3A_635] {strides = array<i32>} : memref<64x512xf32, #tpu.memory_space<vmem>>, vector<16xf32>,
      %add3A_637 = arith.addf %add3A_613, %get3A_636 : vector<16xf32>
      %mul3A_638 = arith.mulf %get3A_636, %get3A_636 : vector<16xf32>
      %add3A_639 = arith.addf %add3A_615, %mul3A_638 : vector<16xf32>
      %get3A_640 = arith.index_cast %while3A_546 : i32 to index
      %get3A_641 = arith.constant 272 : index
      %get3A_642 = tpu.vector_load %arg4[%get3A_640, %get3A_641] {strides = array<i32>} : memref<64x512xf32, #tpu.memory_space<vmem>>, vector<16xf32>,
      %add3A_643 = arith.addf %add3A_619, %get3A_642 : vector<16xf32>
      %mul3A_644 = arith.mulf %get3A_642, %get3A_642 : vector<16xf32>
      %add3A_645 = arith.addf %add3A_621, %mul3A_644 : vector<16xf32>
      %get3A_646 = arith.index_cast %while3A_546 : i32 to index
      %get3A_647 = arith.constant 288 : index
      %get3A_648 = tpu.vector_load %arg4[%get3A_646, %get3A_647] {strides = array<i32>} : memref<64x512xf32, #tpu.memory_space<vmem>>, vector<16xf32>,
      %add3A_649 = arith.addf %add3A_625, %get3A_648 : vector<16xf32>
      %mul3A_650 = arith.mulf %get3A_648, %get3A_648 : vector<16xf32>
      %add3A_651 = arith.addf %add3A_627, %mul3A_650 : vector<16xf32>
      %get3A_652 = arith.index_cast %while3A_546 : i32 to index
      %get3A_653 = arith.constant 304 : index
      %get3A_654 = tpu.vector_load %arg4[%get3A_652, %get3A_653] {strides = array<i32>} : memref<64x512xf32, #tpu.memory_space<vmem>>, vector<16xf32>,
      %add3A_655 = arith.addf %add3A_631, %get3A_654 : vector<16xf32>
      %mul3A_656 = arith.mulf %get3A_654, %get3A_654 : vector<16xf32>
      %add3A_657 = arith.addf %add3A_633, %mul3A_656 : vector<16xf32>
      %get3A_658 = arith.index_cast %while3A_546 : i32 to index
      %get3A_659 = arith.constant 320 : index
      %get3A_660 = tpu.vector_load %arg4[%get3A_658, %get3A_659] {strides = array<i32>} : memref<64x512xf32, #tpu.memory_space<vmem>>, vector<16xf32>,
      %add3A_661 = arith.addf %add3A_637, %get3A_660 : vector<16xf32>
      %mul3A_662 = arith.mulf %get3A_660, %get3A_660 : vector<16xf32>
      %add3A_663 = arith.addf %add3A_639, %mul3A_662 : vector<16xf32>
      %get3A_664 = arith.index_cast %while3A_546 : i32 to index
      %get3A_665 = arith.constant 336 : index
      %get3A_666 = tpu.vector_load %arg4[%get3A_664, %get3A_665] {strides = array<i32>} : memref<64x512xf32, #tpu.memory_space<vmem>>, vector<16xf32>,
      %add3A_667 = arith.addf %add3A_643, %get3A_666 : vector<16xf32>
      %mul3A_668 = arith.mulf %get3A_666, %get3A_666 : vector<16xf32>
      %add3A_669 = arith.addf %add3A_645, %mul3A_668 : vector<16xf32>
      %get3A_670 = arith.index_cast %while3A_546 : i32 to index
      %get3A_671 = arith.constant 352 : index
      %get3A_672 = tpu.vector_load %arg4[%get3A_670, %get3A_671] {strides = array<i32>} : memref<64x512xf32, #tpu.memory_space<vmem>>, vector<16xf32>,
      %add3A_673 = arith.addf %add3A_649, %get3A_672 : vector<16xf32>
      %mul3A_674 = arith.mulf %get3A_672, %get3A_672 : vector<16xf32>
      %add3A_675 = arith.addf %add3A_651, %mul3A_674 : vector<16xf32>
      %get3A_676 = arith.index_cast %while3A_546 : i32 to index
      %get3A_677 = arith.constant 368 : index
      %get3A_678 = tpu.vector_load %arg4[%get3A_676, %get3A_677] {strides = array<i32>} : memref<64x512xf32, #tpu.memory_space<vmem>>, vector<16xf32>,
      %add3A_679 = arith.addf %add3A_655, %get3A_678 : vector<16xf32>
      %mul3A_680 = arith.mulf %get3A_678, %get3A_678 : vector<16xf32>
      %add3A_681 = arith.addf %add3A_657, %mul3A_680 : vector<16xf32>
      %get3A_682 = arith.index_cast %while3A_546 : i32 to index
      %get3A_683 = arith.constant 384 : index
      %get3A_684 = tpu.vector_load %arg4[%get3A_682, %get3A_683] {strides = array<i32>} : memref<64x512xf32, #tpu.memory_space<vmem>>, vector<16xf32>,
      %add3A_685 = arith.addf %add3A_661, %get3A_684 : vector<16xf32>
      %mul3A_686 = arith.mulf %get3A_684, %get3A_684 : vector<16xf32>
      %add3A_687 = arith.addf %add3A_663, %mul3A_686 : vector<16xf32>
      %get3A_688 = arith.index_cast %while3A_546 : i32 to index
      %get3A_689 = arith.constant 400 : index
      %get3A_690 = tpu.vector_load %arg4[%get3A_688, %get3A_689] {strides = array<i32>} : memref<64x512xf32, #tpu.memory_space<vmem>>, vector<16xf32>,
      %add3A_691 = arith.addf %add3A_667, %get3A_690 : vector<16xf32>
      %mul3A_692 = arith.mulf %get3A_690, %get3A_690 : vector<16xf32>
      %add3A_693 = arith.addf %add3A_669, %mul3A_692 : vector<16xf32>
      %get3A_694 = arith.index_cast %while3A_546 : i32 to index
      %get3A_695 = arith.constant 416 : index
      %get3A_696 = tpu.vector_load %arg4[%get3A_694, %get3A_695] {strides = array<i32>} : memref<64x512xf32, #tpu.memory_space<vmem>>, vector<16xf32>,
      %add3A_697 = arith.addf %add3A_673, %get3A_696 : vector<16xf32>
      %mul3A_698 = arith.mulf %get3A_696, %get3A_696 : vector<16xf32>
      %add3A_699 = arith.addf %add3A_675, %mul3A_698 : vector<16xf32>
      %get3A_700 = arith.index_cast %while3A_546 : i32 to index
      %get3A_701 = arith.constant 432 : index
      %get3A_702 = tpu.vector_load %arg4[%get3A_700, %get3A_701] {strides = array<i32>} : memref<64x512xf32, #tpu.memory_space<vmem>>, vector<16xf32>,
      %add3A_703 = arith.addf %add3A_679, %get3A_702 : vector<16xf32>
      %mul3A_704 = arith.mulf %get3A_702, %get3A_702 : vector<16xf32>
      %add3A_705 = arith.addf %add3A_681, %mul3A_704 : vector<16xf32>
      %get3A_706 = arith.index_cast %while3A_546 : i32 to index
      %get3A_707 = arith.constant 448 : index
      %get3A_708 = tpu.vector_load %arg4[%get3A_706, %get3A_707] {strides = array<i32>} : memref<64x512xf32, #tpu.memory_space<vmem>>, vector<16xf32>,
      %add3A_709 = arith.addf %add3A_685, %get3A_708 : vector<16xf32>
      %mul3A_710 = arith.mulf %get3A_708, %get3A_708 : vector<16xf32>
      %add3A_711 = arith.addf %add3A_687, %mul3A_710 : vector<16xf32>
      %get3A_712 = arith.index_cast %while3A_546 : i32 to index
      %get3A_713 = arith.constant 464 : index
      %get3A_714 = tpu.vector_load %arg4[%get3A_712, %get3A_713] {strides = array<i32>} : memref<64x512xf32, #tpu.memory_space<vmem>>, vector<16xf32>,
      %add3A_715 = arith.addf %add3A_691, %get3A_714 : vector<16xf32>
      %mul3A_716 = arith.mulf %get3A_714, %get3A_714 : vector<16xf32>
      %add3A_717 = arith.addf %add3A_693, %mul3A_716 : vector<16xf32>
      %get3A_718 = arith.index_cast %while3A_546 : i32 to index
      %get3A_719 = arith.constant 480 : index
      %get3A_720 = tpu.vector_load %arg4[%get3A_718, %get3A_719] {strides = array<i32>} : memref<64x512xf32, #tpu.memory_space<vmem>>, vector<16xf32>,
      %add3A_721 = arith.addf %add3A_697, %get3A_720 : vector<16xf32>
      %mul3A_722 = arith.mulf %get3A_720, %get3A_720 : vector<16xf32>
      %add3A_723 = arith.addf %add3A_699, %mul3A_722 : vector<16xf32>
      %get3A_724 = arith.index_cast %while3A_546 : i32 to index
      %get3A_725 = arith.constant 496 : index
      %get3A_726 = tpu.vector_load %arg4[%get3A_724, %get3A_725] {strides = array<i32>} : memref<64x512xf32, #tpu.memory_space<vmem>>, vector<16xf32>,
      %add3A_727 = arith.addf %add3A_703, %get3A_726 : vector<16xf32>
      %mul3A_728 = arith.mulf %get3A_726, %get3A_726 : vector<16xf32>
      %add3A_729 = arith.addf %add3A_705, %mul3A_728 : vector<16xf32>
      %add3A_730 = arith.addf %add3A_709, %add3A_715 : vector<16xf32>
      %add3A_731 = arith.addf %add3A_721, %add3A_727 : vector<16xf32>
      %add3A_732 = arith.addf %add3A_730, %add3A_731 : vector<16xf32>
      %add3A_733 = arith.addf %add3A_711, %add3A_717 : vector<16xf32>
      %add3A_734 = arith.addf %add3A_723, %add3A_729 : vector<16xf32>
      %add3A_735 = arith.addf %add3A_733, %add3A_734 : vector<16xf32>
      %mul3A_736 = arith.constant 16 : i32
      %mul3A_737 = arith.muli %while3A_546, %mul3A_736 : i32
      %swap3A_738 = arith.index_cast %mul3A_737 : i32 to index
      %swap3A_739 = tpu.vector_load %arg6[%swap3A_738] {strides = array<i32>} : memref<1024xf32, #tpu.memory_space<vmem>>, vector<16xf32>,
      tpu.vector_store %arg6[%swap3A_738], %add3A_732 {strides = array<i32>} : memref<1024xf32, #tpu.memory_space<vmem>>, vector<16xf32>,
      %swap3A_740 = arith.index_cast %mul3A_737 : i32 to index
      %swap3A_741 = tpu.vector_load %arg7[%swap3A_740] {strides = array<i32>} : memref<1024xf32, #tpu.memory_space<vmem>>, vector<16xf32>,
      tpu.vector_store %arg7[%swap3A_740], %add3A_735 {strides = array<i32>} : memref<1024xf32, #tpu.memory_space<vmem>>, vector<16xf32>,
    }
    %iota3A = tpu.iota {dimensions = array<i32: 0>} : vector<16xi32>
    %add3A_19 = arith.constant 0 : i32
    %add3A_20 = vector.broadcast %add3A_19 : i32 to vector<16xi32>
    %add3A_21 = arith.addi %iota3A, %add3A_20 : vector<16xi32>
    %mul3A_22 = arith.constant 16 : i32
    %mul3A_23 = vector.broadcast %mul3A_22 : i32 to vector<16xi32>
    %mul3A_24 = arith.muli %add3A_21, %mul3A_23 : vector<16xi32>
    %broadcast_in_dim3A = arith.constant 0.000000e+00 : f32
    %broadcast_in_dim3A_25 = vector.broadcast %broadcast_in_dim3A : f32 to vector<16xf32>
    %broadcast_in_dim3A_26 = arith.constant 0.000000e+00 : f32
    %broadcast_in_dim3A_27 = vector.broadcast %broadcast_in_dim3A_26 : f32 to vector<16xf32>
    %add3A_28 = arith.constant 0 : i32
    %add3A_29 = vector.broadcast %add3A_28 : i32 to vector<16xi32>
    %add3A_30 = arith.addi %mul3A_24, %add3A_29 : vector<16xi32>
    %gather3A = tpu.vector_load_idx %arg6[%add3A_30] : memref<1024xf32, #tpu.memory_space<vmem>>[vector<16xi32>], vector<16xf32>,
    %add3A_31 = arith.addf %broadcast_in_dim3A_25, %gather3A : vector<16xf32>
    %gather3A_32 = tpu.vector_load_idx %arg7[%add3A_30] : memref<1024xf32, #tpu.memory_space<vmem>>[vector<16xi32>], vector<16xf32>,
    %add3A_33 = arith.addf %broadcast_in_dim3A_27, %gather3A_32 : vector<16xf32>
    %add3A_34 = arith.constant 1 : i32
    %add3A_35 = vector.broadcast %add3A_34 : i32 to vector<16xi32>
    %add3A_36 = arith.addi %mul3A_24, %add3A_35 : vector<16xi32>
    %gather3A_37 = tpu.vector_load_idx %arg6[%add3A_36] : memref<1024xf32, #tpu.memory_space<vmem>>[vector<16xi32>], vector<16xf32>,
    %add3A_38 = arith.addf %add3A_31, %gather3A_37 : vector<16xf32>
    %gather3A_39 = tpu.vector_load_idx %arg7[%add3A_36] : memref<1024xf32, #tpu.memory_space<vmem>>[vector<16xi32>], vector<16xf32>,
    %add3A_40 = arith.addf %add3A_33, %gather3A_39 : vector<16xf32>
    %add3A_41 = arith.constant 2 : i32
    %add3A_42 = vector.broadcast %add3A_41 : i32 to vector<16xi32>
    %add3A_43 = arith.addi %mul3A_24, %add3A_42 : vector<16xi32>
    %gather3A_44 = tpu.vector_load_idx %arg6[%add3A_43] : memref<1024xf32, #tpu.memory_space<vmem>>[vector<16xi32>], vector<16xf32>,
    %add3A_45 = arith.addf %add3A_38, %gather3A_44 : vector<16xf32>
    %gather3A_46 = tpu.vector_load_idx %arg7[%add3A_43] : memref<1024xf32, #tpu.memory_space<vmem>>[vector<16xi32>], vector<16xf32>,
    %add3A_47 = arith.addf %add3A_40, %gather3A_46 : vector<16xf32>
    %add3A_48 = arith.constant 3 : i32
    %add3A_49 = vector.broadcast %add3A_48 : i32 to vector<16xi32>
    %add3A_50 = arith.addi %mul3A_24, %add3A_49 : vector<16xi32>
    %gather3A_51 = tpu.vector_load_idx %arg6[%add3A_50] : memref<1024xf32, #tpu.memory_space<vmem>>[vector<16xi32>], vector<16xf32>,
    %add3A_52 = arith.addf %add3A_45, %gather3A_51 : vector<16xf32>
    %gather3A_53 = tpu.vector_load_idx %arg7[%add3A_50] : memref<1024xf32, #tpu.memory_space<vmem>>[vector<16xi32>], vector<16xf32>,
    %add3A_54 = arith.addf %add3A_47, %gather3A_53 : vector<16xf32>
    %add3A_55 = arith.constant 4 : i32
    %add3A_56 = vector.broadcast %add3A_55 : i32 to vector<16xi32>
    %add3A_57 = arith.addi %mul3A_24, %add3A_56 : vector<16xi32>
    %gather3A_58 = tpu.vector_load_idx %arg6[%add3A_57] : memref<1024xf32, #tpu.memory_space<vmem>>[vector<16xi32>], vector<16xf32>,
    %add3A_59 = arith.addf %add3A_52, %gather3A_58 : vector<16xf32>
    %gather3A_60 = tpu.vector_load_idx %arg7[%add3A_57] : memref<1024xf32, #tpu.memory_space<vmem>>[vector<16xi32>], vector<16xf32>,
    %add3A_61 = arith.addf %add3A_54, %gather3A_60 : vector<16xf32>
    %add3A_62 = arith.constant 5 : i32
    %add3A_63 = vector.broadcast %add3A_62 : i32 to vector<16xi32>
    %add3A_64 = arith.addi %mul3A_24, %add3A_63 : vector<16xi32>
    %gather3A_65 = tpu.vector_load_idx %arg6[%add3A_64] : memref<1024xf32, #tpu.memory_space<vmem>>[vector<16xi32>], vector<16xf32>,
    %add3A_66 = arith.addf %add3A_59, %gather3A_65 : vector<16xf32>
    %gather3A_67 = tpu.vector_load_idx %arg7[%add3A_64] : memref<1024xf32, #tpu.memory_space<vmem>>[vector<16xi32>], vector<16xf32>,
    %add3A_68 = arith.addf %add3A_61, %gather3A_67 : vector<16xf32>
    %add3A_69 = arith.constant 6 : i32
    %add3A_70 = vector.broadcast %add3A_69 : i32 to vector<16xi32>
    %add3A_71 = arith.addi %mul3A_24, %add3A_70 : vector<16xi32>
    %gather3A_72 = tpu.vector_load_idx %arg6[%add3A_71] : memref<1024xf32, #tpu.memory_space<vmem>>[vector<16xi32>], vector<16xf32>,
    %add3A_73 = arith.addf %add3A_66, %gather3A_72 : vector<16xf32>
    %gather3A_74 = tpu.vector_load_idx %arg7[%add3A_71] : memref<1024xf32, #tpu.memory_space<vmem>>[vector<16xi32>], vector<16xf32>,
    %add3A_75 = arith.addf %add3A_68, %gather3A_74 : vector<16xf32>
    %add3A_76 = arith.constant 7 : i32
    %add3A_77 = vector.broadcast %add3A_76 : i32 to vector<16xi32>
    %add3A_78 = arith.addi %mul3A_24, %add3A_77 : vector<16xi32>
    %gather3A_79 = tpu.vector_load_idx %arg6[%add3A_78] : memref<1024xf32, #tpu.memory_space<vmem>>[vector<16xi32>], vector<16xf32>,
    %add3A_80 = arith.addf %add3A_73, %gather3A_79 : vector<16xf32>
    %gather3A_81 = tpu.vector_load_idx %arg7[%add3A_78] : memref<1024xf32, #tpu.memory_space<vmem>>[vector<16xi32>], vector<16xf32>,
    %add3A_82 = arith.addf %add3A_75, %gather3A_81 : vector<16xf32>
    %add3A_83 = arith.constant 8 : i32
    %add3A_84 = vector.broadcast %add3A_83 : i32 to vector<16xi32>
    %add3A_85 = arith.addi %mul3A_24, %add3A_84 : vector<16xi32>
    %gather3A_86 = tpu.vector_load_idx %arg6[%add3A_85] : memref<1024xf32, #tpu.memory_space<vmem>>[vector<16xi32>], vector<16xf32>,
    %add3A_87 = arith.addf %add3A_80, %gather3A_86 : vector<16xf32>
    %gather3A_88 = tpu.vector_load_idx %arg7[%add3A_85] : memref<1024xf32, #tpu.memory_space<vmem>>[vector<16xi32>], vector<16xf32>,
    %add3A_89 = arith.addf %add3A_82, %gather3A_88 : vector<16xf32>
    %add3A_90 = arith.constant 9 : i32
    %add3A_91 = vector.broadcast %add3A_90 : i32 to vector<16xi32>
    %add3A_92 = arith.addi %mul3A_24, %add3A_91 : vector<16xi32>
    %gather3A_93 = tpu.vector_load_idx %arg6[%add3A_92] : memref<1024xf32, #tpu.memory_space<vmem>>[vector<16xi32>], vector<16xf32>,
    %add3A_94 = arith.addf %add3A_87, %gather3A_93 : vector<16xf32>
    %gather3A_95 = tpu.vector_load_idx %arg7[%add3A_92] : memref<1024xf32, #tpu.memory_space<vmem>>[vector<16xi32>], vector<16xf32>,
    %add3A_96 = arith.addf %add3A_89, %gather3A_95 : vector<16xf32>
    %add3A_97 = arith.constant 10 : i32
    %add3A_98 = vector.broadcast %add3A_97 : i32 to vector<16xi32>
    %add3A_99 = arith.addi %mul3A_24, %add3A_98 : vector<16xi32>
    %gather3A_100 = tpu.vector_load_idx %arg6[%add3A_99] : memref<1024xf32, #tpu.memory_space<vmem>>[vector<16xi32>], vector<16xf32>,
    %add3A_101 = arith.addf %add3A_94, %gather3A_100 : vector<16xf32>
    %gather3A_102 = tpu.vector_load_idx %arg7[%add3A_99] : memref<1024xf32, #tpu.memory_space<vmem>>[vector<16xi32>], vector<16xf32>,
    %add3A_103 = arith.addf %add3A_96, %gather3A_102 : vector<16xf32>
    %add3A_104 = arith.constant 11 : i32
    %add3A_105 = vector.broadcast %add3A_104 : i32 to vector<16xi32>
    %add3A_106 = arith.addi %mul3A_24, %add3A_105 : vector<16xi32>
    %gather3A_107 = tpu.vector_load_idx %arg6[%add3A_106] : memref<1024xf32, #tpu.memory_space<vmem>>[vector<16xi32>], vector<16xf32>,
    %add3A_108 = arith.addf %add3A_101, %gather3A_107 : vector<16xf32>
    %gather3A_109 = tpu.vector_load_idx %arg7[%add3A_106] : memref<1024xf32, #tpu.memory_space<vmem>>[vector<16xi32>], vector<16xf32>,
    %add3A_110 = arith.addf %add3A_103, %gather3A_109 : vector<16xf32>
    %add3A_111 = arith.constant 12 : i32
    %add3A_112 = vector.broadcast %add3A_111 : i32 to vector<16xi32>
    %add3A_113 = arith.addi %mul3A_24, %add3A_112 : vector<16xi32>
    %gather3A_114 = tpu.vector_load_idx %arg6[%add3A_113] : memref<1024xf32, #tpu.memory_space<vmem>>[vector<16xi32>], vector<16xf32>,
    %add3A_115 = arith.addf %add3A_108, %gather3A_114 : vector<16xf32>
    %gather3A_116 = tpu.vector_load_idx %arg7[%add3A_113] : memref<1024xf32, #tpu.memory_space<vmem>>[vector<16xi32>], vector<16xf32>,
    %add3A_117 = arith.addf %add3A_110, %gather3A_116 : vector<16xf32>
    %add3A_118 = arith.constant 13 : i32
    %add3A_119 = vector.broadcast %add3A_118 : i32 to vector<16xi32>
    %add3A_120 = arith.addi %mul3A_24, %add3A_119 : vector<16xi32>
    %gather3A_121 = tpu.vector_load_idx %arg6[%add3A_120] : memref<1024xf32, #tpu.memory_space<vmem>>[vector<16xi32>], vector<16xf32>,
    %add3A_122 = arith.addf %add3A_115, %gather3A_121 : vector<16xf32>
    %gather3A_123 = tpu.vector_load_idx %arg7[%add3A_120] : memref<1024xf32, #tpu.memory_space<vmem>>[vector<16xi32>], vector<16xf32>,
    %add3A_124 = arith.addf %add3A_117, %gather3A_123 : vector<16xf32>
    %add3A_125 = arith.constant 14 : i32
    %add3A_126 = vector.broadcast %add3A_125 : i32 to vector<16xi32>
    %add3A_127 = arith.addi %mul3A_24, %add3A_126 : vector<16xi32>
    %gather3A_128 = tpu.vector_load_idx %arg6[%add3A_127] : memref<1024xf32, #tpu.memory_space<vmem>>[vector<16xi32>], vector<16xf32>,
    %add3A_129 = arith.addf %add3A_122, %gather3A_128 : vector<16xf32>
    %gather3A_130 = tpu.vector_load_idx %arg7[%add3A_127] : memref<1024xf32, #tpu.memory_space<vmem>>[vector<16xi32>], vector<16xf32>,
    %add3A_131 = arith.addf %add3A_124, %gather3A_130 : vector<16xf32>
    %add3A_132 = arith.constant 15 : i32
    %add3A_133 = vector.broadcast %add3A_132 : i32 to vector<16xi32>
    %add3A_134 = arith.addi %mul3A_24, %add3A_133 : vector<16xi32>
    %gather3A_135 = tpu.vector_load_idx %arg6[%add3A_134] : memref<1024xf32, #tpu.memory_space<vmem>>[vector<16xi32>], vector<16xf32>,
    %add3A_136 = arith.addf %add3A_129, %gather3A_135 : vector<16xf32>
    %gather3A_137 = tpu.vector_load_idx %arg7[%add3A_134] : memref<1024xf32, #tpu.memory_space<vmem>>[vector<16xi32>], vector<16xf32>,
    %add3A_138 = arith.addf %add3A_131, %gather3A_137 : vector<16xf32>
    %mul3A_139 = arith.mulf %add3A_136, %add3A_136 : vector<16xf32>
    %mul3A_140 = arith.constant 0.001953125 : f32
    %mul3A_141 = vector.broadcast %mul3A_140 : f32 to vector<16xf32>
    %mul3A_142 = arith.mulf %mul3A_139, %mul3A_141 : vector<16xf32>
    %sub3A = arith.subf %add3A_138, %mul3A_142 : vector<16xf32>
    %mul3A_143 = arith.constant 0.00195694715 : f32
    %mul3A_144 = vector.broadcast %mul3A_143 : f32 to vector<16xf32>
    %mul3A_145 = arith.mulf %sub3A, %mul3A_144 : vector<16xf32>
    %swap3A = arith.constant 0 : index
    %swap3A_146 = tpu.vector_load %arg8[%swap3A] {strides = array<i32>} : memref<64xf32, #tpu.memory_space<vmem>>, vector<16xf32>,
    tpu.vector_store %arg8[%swap3A], %mul3A_145 {strides = array<i32>} : memref<64xf32, #tpu.memory_space<vmem>>, vector<16xf32>,
    %iota3A_147 = tpu.iota {dimensions = array<i32: 0>} : vector<16xi32>
    %add3A_148 = arith.constant 16 : i32
    %add3A_149 = vector.broadcast %add3A_148 : i32 to vector<16xi32>
    %add3A_150 = arith.addi %iota3A_147, %add3A_149 : vector<16xi32>
    %mul3A_151 = arith.constant 16 : i32
    %mul3A_152 = vector.broadcast %mul3A_151 : i32 to vector<16xi32>
    %mul3A_153 = arith.muli %add3A_150, %mul3A_152 : vector<16xi32>
    %broadcast_in_dim3A_154 = arith.constant 0.000000e+00 : f32
    %broadcast_in_dim3A_155 = vector.broadcast %broadcast_in_dim3A_154 : f32 to vector<16xf32>
    %broadcast_in_dim3A_156 = arith.constant 0.000000e+00 : f32
    %broadcast_in_dim3A_157 = vector.broadcast %broadcast_in_dim3A_156 : f32 to vector<16xf32>
    %add3A_158 = arith.constant 0 : i32
    %add3A_159 = vector.broadcast %add3A_158 : i32 to vector<16xi32>
    %add3A_160 = arith.addi %mul3A_153, %add3A_159 : vector<16xi32>
    %gather3A_161 = tpu.vector_load_idx %arg6[%add3A_160] : memref<1024xf32, #tpu.memory_space<vmem>>[vector<16xi32>], vector<16xf32>,
    %add3A_162 = arith.addf %broadcast_in_dim3A_155, %gather3A_161 : vector<16xf32>
    %gather3A_163 = tpu.vector_load_idx %arg7[%add3A_160] : memref<1024xf32, #tpu.memory_space<vmem>>[vector<16xi32>], vector<16xf32>,
    %add3A_164 = arith.addf %broadcast_in_dim3A_157, %gather3A_163 : vector<16xf32>
    %add3A_165 = arith.constant 1 : i32
    %add3A_166 = vector.broadcast %add3A_165 : i32 to vector<16xi32>
    %add3A_167 = arith.addi %mul3A_153, %add3A_166 : vector<16xi32>
    %gather3A_168 = tpu.vector_load_idx %arg6[%add3A_167] : memref<1024xf32, #tpu.memory_space<vmem>>[vector<16xi32>], vector<16xf32>,
    %add3A_169 = arith.addf %add3A_162, %gather3A_168 : vector<16xf32>
    %gather3A_170 = tpu.vector_load_idx %arg7[%add3A_167] : memref<1024xf32, #tpu.memory_space<vmem>>[vector<16xi32>], vector<16xf32>,
    %add3A_171 = arith.addf %add3A_164, %gather3A_170 : vector<16xf32>
    %add3A_172 = arith.constant 2 : i32
    %add3A_173 = vector.broadcast %add3A_172 : i32 to vector<16xi32>
    %add3A_174 = arith.addi %mul3A_153, %add3A_173 : vector<16xi32>
    %gather3A_175 = tpu.vector_load_idx %arg6[%add3A_174] : memref<1024xf32, #tpu.memory_space<vmem>>[vector<16xi32>], vector<16xf32>,
    %add3A_176 = arith.addf %add3A_169, %gather3A_175 : vector<16xf32>
    %gather3A_177 = tpu.vector_load_idx %arg7[%add3A_174] : memref<1024xf32, #tpu.memory_space<vmem>>[vector<16xi32>], vector<16xf32>,
    %add3A_178 = arith.addf %add3A_171, %gather3A_177 : vector<16xf32>
    %add3A_179 = arith.constant 3 : i32
    %add3A_180 = vector.broadcast %add3A_179 : i32 to vector<16xi32>
    %add3A_181 = arith.addi %mul3A_153, %add3A_180 : vector<16xi32>
    %gather3A_182 = tpu.vector_load_idx %arg6[%add3A_181] : memref<1024xf32, #tpu.memory_space<vmem>>[vector<16xi32>], vector<16xf32>,
    %add3A_183 = arith.addf %add3A_176, %gather3A_182 : vector<16xf32>
    %gather3A_184 = tpu.vector_load_idx %arg7[%add3A_181] : memref<1024xf32, #tpu.memory_space<vmem>>[vector<16xi32>], vector<16xf32>,
    %add3A_185 = arith.addf %add3A_178, %gather3A_184 : vector<16xf32>
    %add3A_186 = arith.constant 4 : i32
    %add3A_187 = vector.broadcast %add3A_186 : i32 to vector<16xi32>
    %add3A_188 = arith.addi %mul3A_153, %add3A_187 : vector<16xi32>
    %gather3A_189 = tpu.vector_load_idx %arg6[%add3A_188] : memref<1024xf32, #tpu.memory_space<vmem>>[vector<16xi32>], vector<16xf32>,
    %add3A_190 = arith.addf %add3A_183, %gather3A_189 : vector<16xf32>
    %gather3A_191 = tpu.vector_load_idx %arg7[%add3A_188] : memref<1024xf32, #tpu.memory_space<vmem>>[vector<16xi32>], vector<16xf32>,
    %add3A_192 = arith.addf %add3A_185, %gather3A_191 : vector<16xf32>
    %add3A_193 = arith.constant 5 : i32
    %add3A_194 = vector.broadcast %add3A_193 : i32 to vector<16xi32>
    %add3A_195 = arith.addi %mul3A_153, %add3A_194 : vector<16xi32>
    %gather3A_196 = tpu.vector_load_idx %arg6[%add3A_195] : memref<1024xf32, #tpu.memory_space<vmem>>[vector<16xi32>], vector<16xf32>,
    %add3A_197 = arith.addf %add3A_190, %gather3A_196 : vector<16xf32>
    %gather3A_198 = tpu.vector_load_idx %arg7[%add3A_195] : memref<1024xf32, #tpu.memory_space<vmem>>[vector<16xi32>], vector<16xf32>,
    %add3A_199 = arith.addf %add3A_192, %gather3A_198 : vector<16xf32>
    %add3A_200 = arith.constant 6 : i32
    %add3A_201 = vector.broadcast %add3A_200 : i32 to vector<16xi32>
    %add3A_202 = arith.addi %mul3A_153, %add3A_201 : vector<16xi32>
    %gather3A_203 = tpu.vector_load_idx %arg6[%add3A_202] : memref<1024xf32, #tpu.memory_space<vmem>>[vector<16xi32>], vector<16xf32>,
    %add3A_204 = arith.addf %add3A_197, %gather3A_203 : vector<16xf32>
    %gather3A_205 = tpu.vector_load_idx %arg7[%add3A_202] : memref<1024xf32, #tpu.memory_space<vmem>>[vector<16xi32>], vector<16xf32>,
    %add3A_206 = arith.addf %add3A_199, %gather3A_205 : vector<16xf32>
    %add3A_207 = arith.constant 7 : i32
    %add3A_208 = vector.broadcast %add3A_207 : i32 to vector<16xi32>
    %add3A_209 = arith.addi %mul3A_153, %add3A_208 : vector<16xi32>
    %gather3A_210 = tpu.vector_load_idx %arg6[%add3A_209] : memref<1024xf32, #tpu.memory_space<vmem>>[vector<16xi32>], vector<16xf32>,
    %add3A_211 = arith.addf %add3A_204, %gather3A_210 : vector<16xf32>
    %gather3A_212 = tpu.vector_load_idx %arg7[%add3A_209] : memref<1024xf32, #tpu.memory_space<vmem>>[vector<16xi32>], vector<16xf32>,
    %add3A_213 = arith.addf %add3A_206, %gather3A_212 : vector<16xf32>
    %add3A_214 = arith.constant 8 : i32
    %add3A_215 = vector.broadcast %add3A_214 : i32 to vector<16xi32>
    %add3A_216 = arith.addi %mul3A_153, %add3A_215 : vector<16xi32>
    %gather3A_217 = tpu.vector_load_idx %arg6[%add3A_216] : memref<1024xf32, #tpu.memory_space<vmem>>[vector<16xi32>], vector<16xf32>,
    %add3A_218 = arith.addf %add3A_211, %gather3A_217 : vector<16xf32>
    %gather3A_219 = tpu.vector_load_idx %arg7[%add3A_216] : memref<1024xf32, #tpu.memory_space<vmem>>[vector<16xi32>], vector<16xf32>,
    %add3A_220 = arith.addf %add3A_213, %gather3A_219 : vector<16xf32>
    %add3A_221 = arith.constant 9 : i32
    %add3A_222 = vector.broadcast %add3A_221 : i32 to vector<16xi32>
    %add3A_223 = arith.addi %mul3A_153, %add3A_222 : vector<16xi32>
    %gather3A_224 = tpu.vector_load_idx %arg6[%add3A_223] : memref<1024xf32, #tpu.memory_space<vmem>>[vector<16xi32>], vector<16xf32>,
    %add3A_225 = arith.addf %add3A_218, %gather3A_224 : vector<16xf32>
    %gather3A_226 = tpu.vector_load_idx %arg7[%add3A_223] : memref<1024xf32, #tpu.memory_space<vmem>>[vector<16xi32>], vector<16xf32>,
    %add3A_227 = arith.addf %add3A_220, %gather3A_226 : vector<16xf32>
    %add3A_228 = arith.constant 10 : i32
    %add3A_229 = vector.broadcast %add3A_228 : i32 to vector<16xi32>
    %add3A_230 = arith.addi %mul3A_153, %add3A_229 : vector<16xi32>
    %gather3A_231 = tpu.vector_load_idx %arg6[%add3A_230] : memref<1024xf32, #tpu.memory_space<vmem>>[vector<16xi32>], vector<16xf32>,
    %add3A_232 = arith.addf %add3A_225, %gather3A_231 : vector<16xf32>
    %gather3A_233 = tpu.vector_load_idx %arg7[%add3A_230] : memref<1024xf32, #tpu.memory_space<vmem>>[vector<16xi32>], vector<16xf32>,
    %add3A_234 = arith.addf %add3A_227, %gather3A_233 : vector<16xf32>
    %add3A_235 = arith.constant 11 : i32
    %add3A_236 = vector.broadcast %add3A_235 : i32 to vector<16xi32>
    %add3A_237 = arith.addi %mul3A_153, %add3A_236 : vector<16xi32>
    %gather3A_238 = tpu.vector_load_idx %arg6[%add3A_237] : memref<1024xf32, #tpu.memory_space<vmem>>[vector<16xi32>], vector<16xf32>,
    %add3A_239 = arith.addf %add3A_232, %gather3A_238 : vector<16xf32>
    %gather3A_240 = tpu.vector_load_idx %arg7[%add3A_237] : memref<1024xf32, #tpu.memory_space<vmem>>[vector<16xi32>], vector<16xf32>,
    %add3A_241 = arith.addf %add3A_234, %gather3A_240 : vector<16xf32>
    %add3A_242 = arith.constant 12 : i32
    %add3A_243 = vector.broadcast %add3A_242 : i32 to vector<16xi32>
    %add3A_244 = arith.addi %mul3A_153, %add3A_243 : vector<16xi32>
    %gather3A_245 = tpu.vector_load_idx %arg6[%add3A_244] : memref<1024xf32, #tpu.memory_space<vmem>>[vector<16xi32>], vector<16xf32>,
    %add3A_246 = arith.addf %add3A_239, %gather3A_245 : vector<16xf32>
    %gather3A_247 = tpu.vector_load_idx %arg7[%add3A_244] : memref<1024xf32, #tpu.memory_space<vmem>>[vector<16xi32>], vector<16xf32>,
    %add3A_248 = arith.addf %add3A_241, %gather3A_247 : vector<16xf32>
    %add3A_249 = arith.constant 13 : i32
    %add3A_250 = vector.broadcast %add3A_249 : i32 to vector<16xi32>
    %add3A_251 = arith.addi %mul3A_153, %add3A_250 : vector<16xi32>
    %gather3A_252 = tpu.vector_load_idx %arg6[%add3A_251] : memref<1024xf32, #tpu.memory_space<vmem>>[vector<16xi32>], vector<16xf32>,
    %add3A_253 = arith.addf %add3A_246, %gather3A_252 : vector<16xf32>
    %gather3A_254 = tpu.vector_load_idx %arg7[%add3A_251] : memref<1024xf32, #tpu.memory_space<vmem>>[vector<16xi32>], vector<16xf32>,
    %add3A_255 = arith.addf %add3A_248, %gather3A_254 : vector<16xf32>
    %add3A_256 = arith.constant 14 : i32
    %add3A_257 = vector.broadcast %add3A_256 : i32 to vector<16xi32>
    %add3A_258 = arith.addi %mul3A_153, %add3A_257 : vector<16xi32>
    %gather3A_259 = tpu.vector_load_idx %arg6[%add3A_258] : memref<1024xf32, #tpu.memory_space<vmem>>[vector<16xi32>], vector<16xf32>,
    %add3A_260 = arith.addf %add3A_253, %gather3A_259 : vector<16xf32>
    %gather3A_261 = tpu.vector_load_idx %arg7[%add3A_258] : memref<1024xf32, #tpu.memory_space<vmem>>[vector<16xi32>], vector<16xf32>,
    %add3A_262 = arith.addf %add3A_255, %gather3A_261 : vector<16xf32>
    %add3A_263 = arith.constant 15 : i32
    %add3A_264 = vector.broadcast %add3A_263 : i32 to vector<16xi32>
    %add3A_265 = arith.addi %mul3A_153, %add3A_264 : vector<16xi32>
    %gather3A_266 = tpu.vector_load_idx %arg6[%add3A_265] : memref<1024xf32, #tpu.memory_space<vmem>>[vector<16xi32>], vector<16xf32>,
    %add3A_267 = arith.addf %add3A_260, %gather3A_266 : vector<16xf32>
    %gather3A_268 = tpu.vector_load_idx %arg7[%add3A_265] : memref<1024xf32, #tpu.memory_space<vmem>>[vector<16xi32>], vector<16xf32>,
    %add3A_269 = arith.addf %add3A_262, %gather3A_268 : vector<16xf32>
    %mul3A_270 = arith.mulf %add3A_267, %add3A_267 : vector<16xf32>
    %mul3A_271 = arith.constant 0.001953125 : f32
    %mul3A_272 = vector.broadcast %mul3A_271 : f32 to vector<16xf32>
    %mul3A_273 = arith.mulf %mul3A_270, %mul3A_272 : vector<16xf32>
    %sub3A_274 = arith.subf %add3A_269, %mul3A_273 : vector<16xf32>
    %mul3A_275 = arith.constant 0.00195694715 : f32
    %mul3A_276 = vector.broadcast %mul3A_275 : f32 to vector<16xf32>
    %mul3A_277 = arith.mulf %sub3A_274, %mul3A_276 : vector<16xf32>
    %swap3A_278 = arith.constant 16 : index
    %swap3A_279 = tpu.vector_load %arg8[%swap3A_278] {strides = array<i32>} : memref<64xf32, #tpu.memory_space<vmem>>, vector<16xf32>,
    tpu.vector_store %arg8[%swap3A_278], %mul3A_277 {strides = array<i32>} : memref<64xf32, #tpu.memory_space<vmem>>, vector<16xf32>,
    %iota3A_280 = tpu.iota {dimensions = array<i32: 0>} : vector<16xi32>
    %add3A_281 = arith.constant 32 : i32
    %add3A_282 = vector.broadcast %add3A_281 : i32 to vector<16xi32>
    %add3A_283 = arith.addi %iota3A_280, %add3A_282 : vector<16xi32>
    %mul3A_284 = arith.constant 16 : i32
    %mul3A_285 = vector.broadcast %mul3A_284 : i32 to vector<16xi32>
    %mul3A_286 = arith.muli %add3A_283, %mul3A_285 : vector<16xi32>
    %broadcast_in_dim3A_287 = arith.constant 0.000000e+00 : f32
    %broadcast_in_dim3A_288 = vector.broadcast %broadcast_in_dim3A_287 : f32 to vector<16xf32>
    %broadcast_in_dim3A_289 = arith.constant 0.000000e+00 : f32
    %broadcast_in_dim3A_290 = vector.broadcast %broadcast_in_dim3A_289 : f32 to vector<16xf32>
    %add3A_291 = arith.constant 0 : i32
    %add3A_292 = vector.broadcast %add3A_291 : i32 to vector<16xi32>
    %add3A_293 = arith.addi %mul3A_286, %add3A_292 : vector<16xi32>
    %gather3A_294 = tpu.vector_load_idx %arg6[%add3A_293] : memref<1024xf32, #tpu.memory_space<vmem>>[vector<16xi32>], vector<16xf32>,
    %add3A_295 = arith.addf %broadcast_in_dim3A_288, %gather3A_294 : vector<16xf32>
    %gather3A_296 = tpu.vector_load_idx %arg7[%add3A_293] : memref<1024xf32, #tpu.memory_space<vmem>>[vector<16xi32>], vector<16xf32>,
    %add3A_297 = arith.addf %broadcast_in_dim3A_290, %gather3A_296 : vector<16xf32>
    %add3A_298 = arith.constant 1 : i32
    %add3A_299 = vector.broadcast %add3A_298 : i32 to vector<16xi32>
    %add3A_300 = arith.addi %mul3A_286, %add3A_299 : vector<16xi32>
    %gather3A_301 = tpu.vector_load_idx %arg6[%add3A_300] : memref<1024xf32, #tpu.memory_space<vmem>>[vector<16xi32>], vector<16xf32>,
    %add3A_302 = arith.addf %add3A_295, %gather3A_301 : vector<16xf32>
    %gather3A_303 = tpu.vector_load_idx %arg7[%add3A_300] : memref<1024xf32, #tpu.memory_space<vmem>>[vector<16xi32>], vector<16xf32>,
    %add3A_304 = arith.addf %add3A_297, %gather3A_303 : vector<16xf32>
    %add3A_305 = arith.constant 2 : i32
    %add3A_306 = vector.broadcast %add3A_305 : i32 to vector<16xi32>
    %add3A_307 = arith.addi %mul3A_286, %add3A_306 : vector<16xi32>
    %gather3A_308 = tpu.vector_load_idx %arg6[%add3A_307] : memref<1024xf32, #tpu.memory_space<vmem>>[vector<16xi32>], vector<16xf32>,
    %add3A_309 = arith.addf %add3A_302, %gather3A_308 : vector<16xf32>
    %gather3A_310 = tpu.vector_load_idx %arg7[%add3A_307] : memref<1024xf32, #tpu.memory_space<vmem>>[vector<16xi32>], vector<16xf32>,
    %add3A_311 = arith.addf %add3A_304, %gather3A_310 : vector<16xf32>
    %add3A_312 = arith.constant 3 : i32
    %add3A_313 = vector.broadcast %add3A_312 : i32 to vector<16xi32>
    %add3A_314 = arith.addi %mul3A_286, %add3A_313 : vector<16xi32>
    %gather3A_315 = tpu.vector_load_idx %arg6[%add3A_314] : memref<1024xf32, #tpu.memory_space<vmem>>[vector<16xi32>], vector<16xf32>,
    %add3A_316 = arith.addf %add3A_309, %gather3A_315 : vector<16xf32>
    %gather3A_317 = tpu.vector_load_idx %arg7[%add3A_314] : memref<1024xf32, #tpu.memory_space<vmem>>[vector<16xi32>], vector<16xf32>,
    %add3A_318 = arith.addf %add3A_311, %gather3A_317 : vector<16xf32>
    %add3A_319 = arith.constant 4 : i32
    %add3A_320 = vector.broadcast %add3A_319 : i32 to vector<16xi32>
    %add3A_321 = arith.addi %mul3A_286, %add3A_320 : vector<16xi32>
    %gather3A_322 = tpu.vector_load_idx %arg6[%add3A_321] : memref<1024xf32, #tpu.memory_space<vmem>>[vector<16xi32>], vector<16xf32>,
    %add3A_323 = arith.addf %add3A_316, %gather3A_322 : vector<16xf32>
    %gather3A_324 = tpu.vector_load_idx %arg7[%add3A_321] : memref<1024xf32, #tpu.memory_space<vmem>>[vector<16xi32>], vector<16xf32>,
    %add3A_325 = arith.addf %add3A_318, %gather3A_324 : vector<16xf32>
    %add3A_326 = arith.constant 5 : i32
    %add3A_327 = vector.broadcast %add3A_326 : i32 to vector<16xi32>
    %add3A_328 = arith.addi %mul3A_286, %add3A_327 : vector<16xi32>
    %gather3A_329 = tpu.vector_load_idx %arg6[%add3A_328] : memref<1024xf32, #tpu.memory_space<vmem>>[vector<16xi32>], vector<16xf32>,
    %add3A_330 = arith.addf %add3A_323, %gather3A_329 : vector<16xf32>
    %gather3A_331 = tpu.vector_load_idx %arg7[%add3A_328] : memref<1024xf32, #tpu.memory_space<vmem>>[vector<16xi32>], vector<16xf32>,
    %add3A_332 = arith.addf %add3A_325, %gather3A_331 : vector<16xf32>
    %add3A_333 = arith.constant 6 : i32
    %add3A_334 = vector.broadcast %add3A_333 : i32 to vector<16xi32>
    %add3A_335 = arith.addi %mul3A_286, %add3A_334 : vector<16xi32>
    %gather3A_336 = tpu.vector_load_idx %arg6[%add3A_335] : memref<1024xf32, #tpu.memory_space<vmem>>[vector<16xi32>], vector<16xf32>,
    %add3A_337 = arith.addf %add3A_330, %gather3A_336 : vector<16xf32>
    %gather3A_338 = tpu.vector_load_idx %arg7[%add3A_335] : memref<1024xf32, #tpu.memory_space<vmem>>[vector<16xi32>], vector<16xf32>,
    %add3A_339 = arith.addf %add3A_332, %gather3A_338 : vector<16xf32>
    %add3A_340 = arith.constant 7 : i32
    %add3A_341 = vector.broadcast %add3A_340 : i32 to vector<16xi32>
    %add3A_342 = arith.addi %mul3A_286, %add3A_341 : vector<16xi32>
    %gather3A_343 = tpu.vector_load_idx %arg6[%add3A_342] : memref<1024xf32, #tpu.memory_space<vmem>>[vector<16xi32>], vector<16xf32>,
    %add3A_344 = arith.addf %add3A_337, %gather3A_343 : vector<16xf32>
    %gather3A_345 = tpu.vector_load_idx %arg7[%add3A_342] : memref<1024xf32, #tpu.memory_space<vmem>>[vector<16xi32>], vector<16xf32>,
    %add3A_346 = arith.addf %add3A_339, %gather3A_345 : vector<16xf32>
    %add3A_347 = arith.constant 8 : i32
    %add3A_348 = vector.broadcast %add3A_347 : i32 to vector<16xi32>
    %add3A_349 = arith.addi %mul3A_286, %add3A_348 : vector<16xi32>
    %gather3A_350 = tpu.vector_load_idx %arg6[%add3A_349] : memref<1024xf32, #tpu.memory_space<vmem>>[vector<16xi32>], vector<16xf32>,
    %add3A_351 = arith.addf %add3A_344, %gather3A_350 : vector<16xf32>
    %gather3A_352 = tpu.vector_load_idx %arg7[%add3A_349] : memref<1024xf32, #tpu.memory_space<vmem>>[vector<16xi32>], vector<16xf32>,
    %add3A_353 = arith.addf %add3A_346, %gather3A_352 : vector<16xf32>
    %add3A_354 = arith.constant 9 : i32
    %add3A_355 = vector.broadcast %add3A_354 : i32 to vector<16xi32>
    %add3A_356 = arith.addi %mul3A_286, %add3A_355 : vector<16xi32>
    %gather3A_357 = tpu.vector_load_idx %arg6[%add3A_356] : memref<1024xf32, #tpu.memory_space<vmem>>[vector<16xi32>], vector<16xf32>,
    %add3A_358 = arith.addf %add3A_351, %gather3A_357 : vector<16xf32>
    %gather3A_359 = tpu.vector_load_idx %arg7[%add3A_356] : memref<1024xf32, #tpu.memory_space<vmem>>[vector<16xi32>], vector<16xf32>,
    %add3A_360 = arith.addf %add3A_353, %gather3A_359 : vector<16xf32>
    %add3A_361 = arith.constant 10 : i32
    %add3A_362 = vector.broadcast %add3A_361 : i32 to vector<16xi32>
    %add3A_363 = arith.addi %mul3A_286, %add3A_362 : vector<16xi32>
    %gather3A_364 = tpu.vector_load_idx %arg6[%add3A_363] : memref<1024xf32, #tpu.memory_space<vmem>>[vector<16xi32>], vector<16xf32>,
    %add3A_365 = arith.addf %add3A_358, %gather3A_364 : vector<16xf32>
    %gather3A_366 = tpu.vector_load_idx %arg7[%add3A_363] : memref<1024xf32, #tpu.memory_space<vmem>>[vector<16xi32>], vector<16xf32>,
    %add3A_367 = arith.addf %add3A_360, %gather3A_366 : vector<16xf32>
    %add3A_368 = arith.constant 11 : i32
    %add3A_369 = vector.broadcast %add3A_368 : i32 to vector<16xi32>
    %add3A_370 = arith.addi %mul3A_286, %add3A_369 : vector<16xi32>
    %gather3A_371 = tpu.vector_load_idx %arg6[%add3A_370] : memref<1024xf32, #tpu.memory_space<vmem>>[vector<16xi32>], vector<16xf32>,
    %add3A_372 = arith.addf %add3A_365, %gather3A_371 : vector<16xf32>
    %gather3A_373 = tpu.vector_load_idx %arg7[%add3A_370] : memref<1024xf32, #tpu.memory_space<vmem>>[vector<16xi32>], vector<16xf32>,
    %add3A_374 = arith.addf %add3A_367, %gather3A_373 : vector<16xf32>
    %add3A_375 = arith.constant 12 : i32
    %add3A_376 = vector.broadcast %add3A_375 : i32 to vector<16xi32>
    %add3A_377 = arith.addi %mul3A_286, %add3A_376 : vector<16xi32>
    %gather3A_378 = tpu.vector_load_idx %arg6[%add3A_377] : memref<1024xf32, #tpu.memory_space<vmem>>[vector<16xi32>], vector<16xf32>,
    %add3A_379 = arith.addf %add3A_372, %gather3A_378 : vector<16xf32>
    %gather3A_380 = tpu.vector_load_idx %arg7[%add3A_377] : memref<1024xf32, #tpu.memory_space<vmem>>[vector<16xi32>], vector<16xf32>,
    %add3A_381 = arith.addf %add3A_374, %gather3A_380 : vector<16xf32>
    %add3A_382 = arith.constant 13 : i32
    %add3A_383 = vector.broadcast %add3A_382 : i32 to vector<16xi32>
    %add3A_384 = arith.addi %mul3A_286, %add3A_383 : vector<16xi32>
    %gather3A_385 = tpu.vector_load_idx %arg6[%add3A_384] : memref<1024xf32, #tpu.memory_space<vmem>>[vector<16xi32>], vector<16xf32>,
    %add3A_386 = arith.addf %add3A_379, %gather3A_385 : vector<16xf32>
    %gather3A_387 = tpu.vector_load_idx %arg7[%add3A_384] : memref<1024xf32, #tpu.memory_space<vmem>>[vector<16xi32>], vector<16xf32>,
    %add3A_388 = arith.addf %add3A_381, %gather3A_387 : vector<16xf32>
    %add3A_389 = arith.constant 14 : i32
    %add3A_390 = vector.broadcast %add3A_389 : i32 to vector<16xi32>
    %add3A_391 = arith.addi %mul3A_286, %add3A_390 : vector<16xi32>
    %gather3A_392 = tpu.vector_load_idx %arg6[%add3A_391] : memref<1024xf32, #tpu.memory_space<vmem>>[vector<16xi32>], vector<16xf32>,
    %add3A_393 = arith.addf %add3A_386, %gather3A_392 : vector<16xf32>
    %gather3A_394 = tpu.vector_load_idx %arg7[%add3A_391] : memref<1024xf32, #tpu.memory_space<vmem>>[vector<16xi32>], vector<16xf32>,
    %add3A_395 = arith.addf %add3A_388, %gather3A_394 : vector<16xf32>
    %add3A_396 = arith.constant 15 : i32
    %add3A_397 = vector.broadcast %add3A_396 : i32 to vector<16xi32>
    %add3A_398 = arith.addi %mul3A_286, %add3A_397 : vector<16xi32>
    %gather3A_399 = tpu.vector_load_idx %arg6[%add3A_398] : memref<1024xf32, #tpu.memory_space<vmem>>[vector<16xi32>], vector<16xf32>,
    %add3A_400 = arith.addf %add3A_393, %gather3A_399 : vector<16xf32>
    %gather3A_401 = tpu.vector_load_idx %arg7[%add3A_398] : memref<1024xf32, #tpu.memory_space<vmem>>[vector<16xi32>], vector<16xf32>,
    %add3A_402 = arith.addf %add3A_395, %gather3A_401 : vector<16xf32>
    %mul3A_403 = arith.mulf %add3A_400, %add3A_400 : vector<16xf32>
    %mul3A_404 = arith.constant 0.001953125 : f32
    %mul3A_405 = vector.broadcast %mul3A_404 : f32 to vector<16xf32>
    %mul3A_406 = arith.mulf %mul3A_403, %mul3A_405 : vector<16xf32>
    %sub3A_407 = arith.subf %add3A_402, %mul3A_406 : vector<16xf32>
    %mul3A_408 = arith.constant 0.00195694715 : f32
    %mul3A_409 = vector.broadcast %mul3A_408 : f32 to vector<16xf32>
    %mul3A_410 = arith.mulf %sub3A_407, %mul3A_409 : vector<16xf32>
    %swap3A_411 = arith.constant 32 : index
    %swap3A_412 = tpu.vector_load %arg8[%swap3A_411] {strides = array<i32>} : memref<64xf32, #tpu.memory_space<vmem>>, vector<16xf32>,
    tpu.vector_store %arg8[%swap3A_411], %mul3A_410 {strides = array<i32>} : memref<64xf32, #tpu.memory_space<vmem>>, vector<16xf32>,
    %iota3A_413 = tpu.iota {dimensions = array<i32: 0>} : vector<16xi32>
    %add3A_414 = arith.constant 48 : i32
    %add3A_415 = vector.broadcast %add3A_414 : i32 to vector<16xi32>
    %add3A_416 = arith.addi %iota3A_413, %add3A_415 : vector<16xi32>
    %mul3A_417 = arith.constant 16 : i32
    %mul3A_418 = vector.broadcast %mul3A_417 : i32 to vector<16xi32>
    %mul3A_419 = arith.muli %add3A_416, %mul3A_418 : vector<16xi32>
    %broadcast_in_dim3A_420 = arith.constant 0.000000e+00 : f32
    %broadcast_in_dim3A_421 = vector.broadcast %broadcast_in_dim3A_420 : f32 to vector<16xf32>
    %broadcast_in_dim3A_422 = arith.constant 0.000000e+00 : f32
    %broadcast_in_dim3A_423 = vector.broadcast %broadcast_in_dim3A_422 : f32 to vector<16xf32>
    %add3A_424 = arith.constant 0 : i32
    %add3A_425 = vector.broadcast %add3A_424 : i32 to vector<16xi32>
    %add3A_426 = arith.addi %mul3A_419, %add3A_425 : vector<16xi32>
    %gather3A_427 = tpu.vector_load_idx %arg6[%add3A_426] : memref<1024xf32, #tpu.memory_space<vmem>>[vector<16xi32>], vector<16xf32>,
    %add3A_428 = arith.addf %broadcast_in_dim3A_421, %gather3A_427 : vector<16xf32>
    %gather3A_429 = tpu.vector_load_idx %arg7[%add3A_426] : memref<1024xf32, #tpu.memory_space<vmem>>[vector<16xi32>], vector<16xf32>,
    %add3A_430 = arith.addf %broadcast_in_dim3A_423, %gather3A_429 : vector<16xf32>
    %add3A_431 = arith.constant 1 : i32
    %add3A_432 = vector.broadcast %add3A_431 : i32 to vector<16xi32>
    %add3A_433 = arith.addi %mul3A_419, %add3A_432 : vector<16xi32>
    %gather3A_434 = tpu.vector_load_idx %arg6[%add3A_433] : memref<1024xf32, #tpu.memory_space<vmem>>[vector<16xi32>], vector<16xf32>,
    %add3A_435 = arith.addf %add3A_428, %gather3A_434 : vector<16xf32>
    %gather3A_436 = tpu.vector_load_idx %arg7[%add3A_433] : memref<1024xf32, #tpu.memory_space<vmem>>[vector<16xi32>], vector<16xf32>,
    %add3A_437 = arith.addf %add3A_430, %gather3A_436 : vector<16xf32>
    %add3A_438 = arith.constant 2 : i32
    %add3A_439 = vector.broadcast %add3A_438 : i32 to vector<16xi32>
    %add3A_440 = arith.addi %mul3A_419, %add3A_439 : vector<16xi32>
    %gather3A_441 = tpu.vector_load_idx %arg6[%add3A_440] : memref<1024xf32, #tpu.memory_space<vmem>>[vector<16xi32>], vector<16xf32>,
    %add3A_442 = arith.addf %add3A_435, %gather3A_441 : vector<16xf32>
    %gather3A_443 = tpu.vector_load_idx %arg7[%add3A_440] : memref<1024xf32, #tpu.memory_space<vmem>>[vector<16xi32>], vector<16xf32>,
    %add3A_444 = arith.addf %add3A_437, %gather3A_443 : vector<16xf32>
    %add3A_445 = arith.constant 3 : i32
    %add3A_446 = vector.broadcast %add3A_445 : i32 to vector<16xi32>
    %add3A_447 = arith.addi %mul3A_419, %add3A_446 : vector<16xi32>
    %gather3A_448 = tpu.vector_load_idx %arg6[%add3A_447] : memref<1024xf32, #tpu.memory_space<vmem>>[vector<16xi32>], vector<16xf32>,
    %add3A_449 = arith.addf %add3A_442, %gather3A_448 : vector<16xf32>
    %gather3A_450 = tpu.vector_load_idx %arg7[%add3A_447] : memref<1024xf32, #tpu.memory_space<vmem>>[vector<16xi32>], vector<16xf32>,
    %add3A_451 = arith.addf %add3A_444, %gather3A_450 : vector<16xf32>
    %add3A_452 = arith.constant 4 : i32
    %add3A_453 = vector.broadcast %add3A_452 : i32 to vector<16xi32>
    %add3A_454 = arith.addi %mul3A_419, %add3A_453 : vector<16xi32>
    %gather3A_455 = tpu.vector_load_idx %arg6[%add3A_454] : memref<1024xf32, #tpu.memory_space<vmem>>[vector<16xi32>], vector<16xf32>,
    %add3A_456 = arith.addf %add3A_449, %gather3A_455 : vector<16xf32>
    %gather3A_457 = tpu.vector_load_idx %arg7[%add3A_454] : memref<1024xf32, #tpu.memory_space<vmem>>[vector<16xi32>], vector<16xf32>,
    %add3A_458 = arith.addf %add3A_451, %gather3A_457 : vector<16xf32>
    %add3A_459 = arith.constant 5 : i32
    %add3A_460 = vector.broadcast %add3A_459 : i32 to vector<16xi32>
    %add3A_461 = arith.addi %mul3A_419, %add3A_460 : vector<16xi32>
    %gather3A_462 = tpu.vector_load_idx %arg6[%add3A_461] : memref<1024xf32, #tpu.memory_space<vmem>>[vector<16xi32>], vector<16xf32>,
    %add3A_463 = arith.addf %add3A_456, %gather3A_462 : vector<16xf32>
    %gather3A_464 = tpu.vector_load_idx %arg7[%add3A_461] : memref<1024xf32, #tpu.memory_space<vmem>>[vector<16xi32>], vector<16xf32>,
    %add3A_465 = arith.addf %add3A_458, %gather3A_464 : vector<16xf32>
    %add3A_466 = arith.constant 6 : i32
    %add3A_467 = vector.broadcast %add3A_466 : i32 to vector<16xi32>
    %add3A_468 = arith.addi %mul3A_419, %add3A_467 : vector<16xi32>
    %gather3A_469 = tpu.vector_load_idx %arg6[%add3A_468] : memref<1024xf32, #tpu.memory_space<vmem>>[vector<16xi32>], vector<16xf32>,
    %add3A_470 = arith.addf %add3A_463, %gather3A_469 : vector<16xf32>
    %gather3A_471 = tpu.vector_load_idx %arg7[%add3A_468] : memref<1024xf32, #tpu.memory_space<vmem>>[vector<16xi32>], vector<16xf32>,
    %add3A_472 = arith.addf %add3A_465, %gather3A_471 : vector<16xf32>
    %add3A_473 = arith.constant 7 : i32
    %add3A_474 = vector.broadcast %add3A_473 : i32 to vector<16xi32>
    %add3A_475 = arith.addi %mul3A_419, %add3A_474 : vector<16xi32>
    %gather3A_476 = tpu.vector_load_idx %arg6[%add3A_475] : memref<1024xf32, #tpu.memory_space<vmem>>[vector<16xi32>], vector<16xf32>,
    %add3A_477 = arith.addf %add3A_470, %gather3A_476 : vector<16xf32>
    %gather3A_478 = tpu.vector_load_idx %arg7[%add3A_475] : memref<1024xf32, #tpu.memory_space<vmem>>[vector<16xi32>], vector<16xf32>,
    %add3A_479 = arith.addf %add3A_472, %gather3A_478 : vector<16xf32>
    %add3A_480 = arith.constant 8 : i32
    %add3A_481 = vector.broadcast %add3A_480 : i32 to vector<16xi32>
    %add3A_482 = arith.addi %mul3A_419, %add3A_481 : vector<16xi32>
    %gather3A_483 = tpu.vector_load_idx %arg6[%add3A_482] : memref<1024xf32, #tpu.memory_space<vmem>>[vector<16xi32>], vector<16xf32>,
    %add3A_484 = arith.addf %add3A_477, %gather3A_483 : vector<16xf32>
    %gather3A_485 = tpu.vector_load_idx %arg7[%add3A_482] : memref<1024xf32, #tpu.memory_space<vmem>>[vector<16xi32>], vector<16xf32>,
    %add3A_486 = arith.addf %add3A_479, %gather3A_485 : vector<16xf32>
    %add3A_487 = arith.constant 9 : i32
    %add3A_488 = vector.broadcast %add3A_487 : i32 to vector<16xi32>
    %add3A_489 = arith.addi %mul3A_419, %add3A_488 : vector<16xi32>
    %gather3A_490 = tpu.vector_load_idx %arg6[%add3A_489] : memref<1024xf32, #tpu.memory_space<vmem>>[vector<16xi32>], vector<16xf32>,
    %add3A_491 = arith.addf %add3A_484, %gather3A_490 : vector<16xf32>
    %gather3A_492 = tpu.vector_load_idx %arg7[%add3A_489] : memref<1024xf32, #tpu.memory_space<vmem>>[vector<16xi32>], vector<16xf32>,
    %add3A_493 = arith.addf %add3A_486, %gather3A_492 : vector<16xf32>
    %add3A_494 = arith.constant 10 : i32
    %add3A_495 = vector.broadcast %add3A_494 : i32 to vector<16xi32>
    %add3A_496 = arith.addi %mul3A_419, %add3A_495 : vector<16xi32>
    %gather3A_497 = tpu.vector_load_idx %arg6[%add3A_496] : memref<1024xf32, #tpu.memory_space<vmem>>[vector<16xi32>], vector<16xf32>,
    %add3A_498 = arith.addf %add3A_491, %gather3A_497 : vector<16xf32>
    %gather3A_499 = tpu.vector_load_idx %arg7[%add3A_496] : memref<1024xf32, #tpu.memory_space<vmem>>[vector<16xi32>], vector<16xf32>,
    %add3A_500 = arith.addf %add3A_493, %gather3A_499 : vector<16xf32>
    %add3A_501 = arith.constant 11 : i32
    %add3A_502 = vector.broadcast %add3A_501 : i32 to vector<16xi32>
    %add3A_503 = arith.addi %mul3A_419, %add3A_502 : vector<16xi32>
    %gather3A_504 = tpu.vector_load_idx %arg6[%add3A_503] : memref<1024xf32, #tpu.memory_space<vmem>>[vector<16xi32>], vector<16xf32>,
    %add3A_505 = arith.addf %add3A_498, %gather3A_504 : vector<16xf32>
    %gather3A_506 = tpu.vector_load_idx %arg7[%add3A_503] : memref<1024xf32, #tpu.memory_space<vmem>>[vector<16xi32>], vector<16xf32>,
    %add3A_507 = arith.addf %add3A_500, %gather3A_506 : vector<16xf32>
    %add3A_508 = arith.constant 12 : i32
    %add3A_509 = vector.broadcast %add3A_508 : i32 to vector<16xi32>
    %add3A_510 = arith.addi %mul3A_419, %add3A_509 : vector<16xi32>
    %gather3A_511 = tpu.vector_load_idx %arg6[%add3A_510] : memref<1024xf32, #tpu.memory_space<vmem>>[vector<16xi32>], vector<16xf32>,
    %add3A_512 = arith.addf %add3A_505, %gather3A_511 : vector<16xf32>
    %gather3A_513 = tpu.vector_load_idx %arg7[%add3A_510] : memref<1024xf32, #tpu.memory_space<vmem>>[vector<16xi32>], vector<16xf32>,
    %add3A_514 = arith.addf %add3A_507, %gather3A_513 : vector<16xf32>
    %add3A_515 = arith.constant 13 : i32
    %add3A_516 = vector.broadcast %add3A_515 : i32 to vector<16xi32>
    %add3A_517 = arith.addi %mul3A_419, %add3A_516 : vector<16xi32>
    %gather3A_518 = tpu.vector_load_idx %arg6[%add3A_517] : memref<1024xf32, #tpu.memory_space<vmem>>[vector<16xi32>], vector<16xf32>,
    %add3A_519 = arith.addf %add3A_512, %gather3A_518 : vector<16xf32>
    %gather3A_520 = tpu.vector_load_idx %arg7[%add3A_517] : memref<1024xf32, #tpu.memory_space<vmem>>[vector<16xi32>], vector<16xf32>,
    %add3A_521 = arith.addf %add3A_514, %gather3A_520 : vector<16xf32>
    %add3A_522 = arith.constant 14 : i32
    %add3A_523 = vector.broadcast %add3A_522 : i32 to vector<16xi32>
    %add3A_524 = arith.addi %mul3A_419, %add3A_523 : vector<16xi32>
    %gather3A_525 = tpu.vector_load_idx %arg6[%add3A_524] : memref<1024xf32, #tpu.memory_space<vmem>>[vector<16xi32>], vector<16xf32>,
    %add3A_526 = arith.addf %add3A_519, %gather3A_525 : vector<16xf32>
    %gather3A_527 = tpu.vector_load_idx %arg7[%add3A_524] : memref<1024xf32, #tpu.memory_space<vmem>>[vector<16xi32>], vector<16xf32>,
    %add3A_528 = arith.addf %add3A_521, %gather3A_527 : vector<16xf32>
    %add3A_529 = arith.constant 15 : i32
    %add3A_530 = vector.broadcast %add3A_529 : i32 to vector<16xi32>
    %add3A_531 = arith.addi %mul3A_419, %add3A_530 : vector<16xi32>
    %gather3A_532 = tpu.vector_load_idx %arg6[%add3A_531] : memref<1024xf32, #tpu.memory_space<vmem>>[vector<16xi32>], vector<16xf32>,
    %add3A_533 = arith.addf %add3A_526, %gather3A_532 : vector<16xf32>
    %gather3A_534 = tpu.vector_load_idx %arg7[%add3A_531] : memref<1024xf32, #tpu.memory_space<vmem>>[vector<16xi32>], vector<16xf32>,
    %add3A_535 = arith.addf %add3A_528, %gather3A_534 : vector<16xf32>
    %mul3A_536 = arith.mulf %add3A_533, %add3A_533 : vector<16xf32>
    %mul3A_537 = arith.constant 0.001953125 : f32
    %mul3A_538 = vector.broadcast %mul3A_537 : f32 to vector<16xf32>
    %mul3A_539 = arith.mulf %mul3A_536, %mul3A_538 : vector<16xf32>
    %sub3A_540 = arith.subf %add3A_535, %mul3A_539 : vector<16xf32>
    %mul3A_541 = arith.constant 0.00195694715 : f32
    %mul3A_542 = vector.broadcast %mul3A_541 : f32 to vector<16xf32>
    %mul3A_543 = arith.mulf %sub3A_540, %mul3A_542 : vector<16xf32>
    %swap3A_544 = arith.constant 48 : index
    %swap3A_545 = tpu.vector_load %arg8[%swap3A_544] {strides = array<i32>} : memref<64xf32, #tpu.memory_space<vmem>>, vector<16xf32>,
    tpu.vector_store %arg8[%swap3A_544], %mul3A_543 {strides = array<i32>} : memref<64xf32, #tpu.memory_space<vmem>>, vector<16xf32>,
    "tpu.region"() ({
      %run_scoped3A = tpu.sem_alloc : memref<!tpu.dma_semaphore, #tpu.memory_space<semaphore_mem>>
      %dma_start3A_546 = tpu.memref_slice %arg3[%mul3A_2] : memref<2048xf32, #tpu.memory_space<hbm>> -> memref<64xf32, #tpu.memory_space<hbm>>
      %dma_start3A_547 = tpu.memref_slice %arg3[%mul3A_2] : memref<2048xf32, #tpu.memory_space<hbm>> -> memref<64xf32, #tpu.memory_space<hbm>>
      tpu.enqueue_dma source(%arg8 : memref<64xf32, #tpu.memory_space<vmem>>) target(%dma_start3A_547 : memref<64xf32, #tpu.memory_space<hbm>>) target_semaphore(%run_scoped3A : memref<!tpu.dma_semaphore, #tpu.memory_space<semaphore_mem>>)
      %dma_wait3A_548 = tpu.memref_slice %arg3[%mul3A_2] : memref<2048xf32, #tpu.memory_space<hbm>> -> memref<64xf32, #tpu.memory_space<hbm>>
      %dma_wait3A_549 = tpu.memref_slice %arg3[%mul3A_2] : memref<2048xf32, #tpu.memory_space<hbm>> -> memref<64xf32, #tpu.memory_space<hbm>>
      tpu.wait_dma2 semaphore(%run_scoped3A : memref<!tpu.dma_semaphore, #tpu.memory_space<semaphore_mem>>) src(%arg8 : memref<64xf32, #tpu.memory_space<vmem>>) dst(%dma_wait3A_549 : memref<64xf32, #tpu.memory_space<hbm>>)
      tpu.yield
    }) : () -> ()
    return
  }
}

module attributes {stable_mosaic.version = 14 : i64} {
  func.func @_var_tc_body(%arg0: i32, %arg1: memref<1x512x512xf32, #tpu.memory_space<vmem>>, %arg2: memref<1x512x1xf32, #tpu.memory_space<vmem>>) attributes {dimension_semantics = [#tpu.dimension_semantics<arbitrary>], iteration_bounds = array<i64: 21>, scalar_prefetch = 0 : i64, scratch_operands = 0 : i64, tpu.core_type = #tpu.core_type<tc>, window_params = [{transform_indices = @transform_0, window_bounds = array<i64: 1, 512, 512>}, {transform_indices = @transform_1, window_bounds = array<i64: 1, 512, 1>}]} {
    %get3A = arith.constant 0 : index
    %get3A_0 = arith.constant 0 : index
    %get3A_1 = arith.constant 0 : index
    %get3A_2 = vector.load %arg1[%get3A, %get3A_0, %get3A_1] : memref<1x512x512xf32, #tpu.memory_space<vmem>>, vector<1x512x512xf32>
    %get3A_3 = vector.shape_cast %get3A_2 : vector<1x512x512xf32> to vector<512x512xf32>
    %reduce_sum3A = arith.constant dense<0.000000e+00> : vector<512xf32>
    %reduce_sum3A_4 = vector.multi_reduction <add>, %get3A_3, %reduce_sum3A [1] : vector<512x512xf32> to vector<512xf32>
    %broadcast_in_dim3A = vector.shape_cast %reduce_sum3A_4 : vector<512xf32> to vector<512x1xf32>
    %mul3A = arith.mulf %get3A_3, %get3A_3 : vector<512x512xf32>
    %reduce_sum3A_5 = arith.constant dense<0.000000e+00> : vector<512xf32>
    %reduce_sum3A_6 = vector.multi_reduction <add>, %mul3A, %reduce_sum3A_5 [1] : vector<512x512xf32> to vector<512xf32>
    %broadcast_in_dim3A_7 = vector.shape_cast %reduce_sum3A_6 : vector<512xf32> to vector<512x1xf32>
    %mul3A_8 = arith.mulf %broadcast_in_dim3A, %broadcast_in_dim3A : vector<512x1xf32>
    %mul3A_9 = arith.constant 0.001953125 : f32
    %mul3A_10 = vector.broadcast %mul3A_9 : f32 to vector<512x1xf32>
    %mul3A_11 = arith.mulf %mul3A_8, %mul3A_10 : vector<512x1xf32>
    %sub3A = arith.subf %broadcast_in_dim3A_7, %mul3A_11 : vector<512x1xf32>
    %mul3A_12 = arith.constant 0.00195694715 : f32
    %mul3A_13 = vector.broadcast %mul3A_12 : f32 to vector<512x1xf32>
    %mul3A_14 = arith.mulf %sub3A, %mul3A_13 : vector<512x1xf32>
    %reshape3A = vector.shape_cast %mul3A_14 : vector<512x1xf32> to vector<1x512x1xf32>
    %swap3A = arith.constant 0 : index
    %swap3A_15 = arith.constant 0 : index
    %swap3A_16 = arith.constant 0 : index
    %swap3A_17 = vector.load %arg2[%swap3A, %swap3A_15, %swap3A_16] : memref<1x512x1xf32, #tpu.memory_space<vmem>>, vector<1x512x1xf32>
    tpu.vector_store %arg2[%swap3A, %swap3A_15, %swap3A_16], %reshape3A {strides = array<i32>} : memref<1x512x1xf32, #tpu.memory_space<vmem>>, vector<1x512x1xf32>,
    return
  }
  func.func @transform_0(%arg0: i32) -> (i32, i32, i32) {
    %add3A = arith.constant 4 : i32
    %add3A_0 = arith.addi %arg0, %add3A : i32
    %mul3A = arith.constant 0 : i32
    %mul3A_1 = arith.muli %arg0, %mul3A : i32
    %mul3A_2 = arith.constant 0 : i32
    %mul3A_3 = arith.muli %arg0, %mul3A_2 : i32
    %c0_i32 = arith.constant 0 : i32
    return %add3A_0, %mul3A_1, %mul3A_3 : i32, i32, i32
  }
  func.func @transform_1(%arg0: i32) -> (i32, i32, i32) {
    %mul3A = arith.constant 0 : i32
    %mul3A_0 = arith.muli %arg0, %mul3A : i32
    %mul3A_1 = arith.constant 0 : i32
    %mul3A_2 = arith.muli %arg0, %mul3A_1 : i32
    %c0_i32 = arith.constant 0 : i32
    return %arg0, %mul3A_0, %mul3A_2 : i32, i32, i32
  }
}

module attributes {stable_mosaic.version = 14 : i64} {
  func.func @_loss_body(%arg0: memref<8x1600xf32, #tpu.memory_space<vmem>>, %arg1: memref<7x256xf32, #tpu.memory_space<vmem>>, %arg2: memref<1600x2xf32, #tpu.memory_space<vmem>>, %arg3: memref<256x512xf32, #tpu.memory_space<vmem>>, %arg4: memref<8x256xf32, #tpu.memory_space<vmem>>, %arg5: memref<1x1xf32, #tpu.memory_space<smem>>) attributes {dimension_semantics = [], scalar_prefetch = 0 : i64, scratch_operands = 0 : i64, tpu.core_type = #tpu.core_type<tc>} {
    %get3A = arith.constant 0 : index
    %get3A_0 = arith.constant 0 : index
    %get3A_1 = vector.load %arg1[%get3A, %get3A_0] : memref<7x256xf32, #tpu.memory_space<vmem>>, vector<7x256xf32>
    %slice3A = vector.extract_strided_slice %get3A_1 {offsets = [0, 0], sizes = [1, 256], strides = [1, 1]} : vector<7x256xf32> to vector<1x256xf32>
    %slice3A_2 = vector.extract_strided_slice %get3A_1 {offsets = [1, 0], sizes = [1, 256], strides = [1, 1]} : vector<7x256xf32> to vector<1x256xf32>
    %slice3A_3 = vector.extract_strided_slice %get3A_1 {offsets = [3, 0], sizes = [1, 256], strides = [1, 1]} : vector<7x256xf32> to vector<1x256xf32>
    %slice3A_4 = vector.extract_strided_slice %get3A_1 {offsets = [4, 0], sizes = [1, 256], strides = [1, 1]} : vector<7x256xf32> to vector<1x256xf32>
    %slice3A_5 = vector.extract_strided_slice %get3A_1 {offsets = [6, 0], sizes = [1, 256], strides = [1, 1]} : vector<7x256xf32> to vector<1x256xf32>
    %div3A = arith.constant 2.560000e+00 : f32
    %div3A_6 = vector.broadcast %div3A : f32 to vector<1x256xf32>
    %div3A_7 = arith.divf %div3A_6, %slice3A_3 : vector<1x256xf32>
    %jit3A = arith.constant 1.000000e+00 : f64
    %jit3A_8 = arith.constant 6.000000e+00 : f64
    %convert_element_type3A = arith.truncf %jit3A : f64 to f32
    %max3A = vector.broadcast %convert_element_type3A : f32 to vector<1x256xf32>
    %max3A_9 = arith.maximumf %max3A, %div3A_7 : vector<1x256xf32>
    %convert_element_type3A_10 = arith.truncf %jit3A_8 : f64 to f32
    %min3A = vector.broadcast %convert_element_type3A_10 : f32 to vector<1x256xf32>
    %min3A_11 = arith.minimumf %min3A, %max3A_9 : vector<1x256xf32>
    %div3A_12 = arith.constant 2.560000e+00 : f32
    %div3A_13 = vector.broadcast %div3A_12 : f32 to vector<1x256xf32>
    %div3A_14 = arith.divf %div3A_13, %slice3A_4 : vector<1x256xf32>
    %jit3A_15 = arith.constant 1.000000e+00 : f64
    %jit3A_16 = arith.constant 6.000000e+00 : f64
    %convert_element_type3A_17 = arith.truncf %jit3A_15 : f64 to f32
    %max3A_18 = vector.broadcast %convert_element_type3A_17 : f32 to vector<1x256xf32>
    %max3A_19 = arith.maximumf %max3A_18, %div3A_14 : vector<1x256xf32>
    %convert_element_type3A_20 = arith.truncf %jit3A_16 : f64 to f32
    %min3A_21 = vector.broadcast %convert_element_type3A_20 : f32 to vector<1x256xf32>
    %min3A_22 = arith.minimumf %min3A_21, %max3A_19 : vector<1x256xf32>
    %mul3A = arith.constant 5.000000e-01 : f32
    %mul3A_23 = vector.broadcast %mul3A : f32 to vector<1x256xf32>
    %mul3A_24 = arith.mulf %mul3A_23, %slice3A_3 : vector<1x256xf32>
    %mul3A_25 = arith.mulf %mul3A_24, %min3A_11 : vector<1x256xf32>
    %mul3A_26 = arith.constant 5.000000e-01 : f32
    %mul3A_27 = vector.broadcast %mul3A_26 : f32 to vector<1x256xf32>
    %mul3A_28 = arith.mulf %mul3A_27, %slice3A_4 : vector<1x256xf32>
    %mul3A_29 = arith.mulf %mul3A_28, %min3A_22 : vector<1x256xf32>
    %sin3A = math.sin %slice3A_5 : vector<1x256xf32>
    %cos3A = math.cos %slice3A_5 : vector<1x256xf32>
    %mul3A_30 = arith.constant -1.000000e+00 : f32
    %mul3A_31 = vector.broadcast %mul3A_30 : f32 to vector<1x256xf32>
    %mul3A_32 = arith.mulf %mul3A_31, %mul3A_25 : vector<1x256xf32>
    %mul3A_33 = arith.constant -1.000000e+00 : f32
    %mul3A_34 = vector.broadcast %mul3A_33 : f32 to vector<1x256xf32>
    %mul3A_35 = arith.mulf %mul3A_34, %mul3A_29 : vector<1x256xf32>
    %mul3A_36 = arith.mulf %mul3A_32, %cos3A : vector<1x256xf32>
    %mul3A_37 = arith.mulf %mul3A_35, %sin3A : vector<1x256xf32>
    %sub3A = arith.subf %mul3A_36, %mul3A_37 : vector<1x256xf32>
    %add3A = arith.addf %sub3A, %slice3A : vector<1x256xf32>
    %mul3A_38 = arith.mulf %mul3A_32, %sin3A : vector<1x256xf32>
    %mul3A_39 = arith.mulf %mul3A_35, %cos3A : vector<1x256xf32>
    %add3A_40 = arith.addf %mul3A_38, %mul3A_39 : vector<1x256xf32>
    %add3A_41 = arith.addf %add3A_40, %slice3A_2 : vector<1x256xf32>
    %mul3A_42 = arith.constant -1.000000e+00 : f32
    %mul3A_43 = vector.broadcast %mul3A_42 : f32 to vector<1x256xf32>
    %mul3A_44 = arith.mulf %mul3A_43, %mul3A_25 : vector<1x256xf32>
    %mul3A_45 = arith.constant 1.000000e+00 : f32
    %mul3A_46 = vector.broadcast %mul3A_45 : f32 to vector<1x256xf32>
    %mul3A_47 = arith.mulf %mul3A_46, %mul3A_29 : vector<1x256xf32>
    %mul3A_48 = arith.mulf %mul3A_44, %cos3A : vector<1x256xf32>
    %mul3A_49 = arith.mulf %mul3A_47, %sin3A : vector<1x256xf32>
    %sub3A_50 = arith.subf %mul3A_48, %mul3A_49 : vector<1x256xf32>
    %add3A_51 = arith.addf %sub3A_50, %slice3A : vector<1x256xf32>
    %mul3A_52 = arith.mulf %mul3A_44, %sin3A : vector<1x256xf32>
    %mul3A_53 = arith.mulf %mul3A_47, %cos3A : vector<1x256xf32>
    %add3A_54 = arith.addf %mul3A_52, %mul3A_53 : vector<1x256xf32>
    %add3A_55 = arith.addf %add3A_54, %slice3A_2 : vector<1x256xf32>
    %mul3A_56 = arith.constant 1.000000e+00 : f32
    %mul3A_57 = vector.broadcast %mul3A_56 : f32 to vector<1x256xf32>
    %mul3A_58 = arith.mulf %mul3A_57, %mul3A_25 : vector<1x256xf32>
    %mul3A_59 = arith.constant 1.000000e+00 : f32
    %mul3A_60 = vector.broadcast %mul3A_59 : f32 to vector<1x256xf32>
    %mul3A_61 = arith.mulf %mul3A_60, %mul3A_29 : vector<1x256xf32>
    %mul3A_62 = arith.mulf %mul3A_58, %cos3A : vector<1x256xf32>
    %mul3A_63 = arith.mulf %mul3A_61, %sin3A : vector<1x256xf32>
    %sub3A_64 = arith.subf %mul3A_62, %mul3A_63 : vector<1x256xf32>
    %add3A_65 = arith.addf %sub3A_64, %slice3A : vector<1x256xf32>
    %mul3A_66 = arith.mulf %mul3A_58, %sin3A : vector<1x256xf32>
    %mul3A_67 = arith.mulf %mul3A_61, %cos3A : vector<1x256xf32>
    %add3A_68 = arith.addf %mul3A_66, %mul3A_67 : vector<1x256xf32>
    %add3A_69 = arith.addf %add3A_68, %slice3A_2 : vector<1x256xf32>
    %mul3A_70 = arith.constant 1.000000e+00 : f32
    %mul3A_71 = vector.broadcast %mul3A_70 : f32 to vector<1x256xf32>
    %mul3A_72 = arith.mulf %mul3A_71, %mul3A_25 : vector<1x256xf32>
    %mul3A_73 = arith.constant -1.000000e+00 : f32
    %mul3A_74 = vector.broadcast %mul3A_73 : f32 to vector<1x256xf32>
    %mul3A_75 = arith.mulf %mul3A_74, %mul3A_29 : vector<1x256xf32>
    %mul3A_76 = arith.mulf %mul3A_72, %cos3A : vector<1x256xf32>
    %mul3A_77 = arith.mulf %mul3A_75, %sin3A : vector<1x256xf32>
    %sub3A_78 = arith.subf %mul3A_76, %mul3A_77 : vector<1x256xf32>
    %add3A_79 = arith.addf %sub3A_78, %slice3A : vector<1x256xf32>
    %mul3A_80 = arith.mulf %mul3A_72, %sin3A : vector<1x256xf32>
    %mul3A_81 = arith.mulf %mul3A_75, %cos3A : vector<1x256xf32>
    %add3A_82 = arith.addf %mul3A_80, %mul3A_81 : vector<1x256xf32>
    %add3A_83 = arith.addf %add3A_82, %slice3A_2 : vector<1x256xf32>
    %get3A_84 = arith.constant 0 : index
    %get3A_85 = arith.constant 0 : index
    %get3A_86 = vector.load %arg2[%get3A_84, %get3A_85] : memref<1600x2xf32, #tpu.memory_space<vmem>>, vector<1600x1xf32>
    %get3A_87 = arith.constant 0 : index
    %get3A_88 = arith.constant 1 : index
    %get3A_89 = vector.load %arg2[%get3A_87, %get3A_88] : memref<1600x2xf32, #tpu.memory_space<vmem>>, vector<1600x1xf32>
    %sub3A_90 = arith.subf %add3A_51, %add3A : vector<1x256xf32>
    %sub3A_91 = arith.subf %add3A_55, %add3A_41 : vector<1x256xf32>
    %sub3A_92 = vector.broadcast %get3A_89 : vector<1600x1xf32> to vector<1600x256xf32>
    %sub3A_93 = vector.broadcast %add3A_41 : vector<1x256xf32> to vector<1600x256xf32>
    %sub3A_94 = arith.subf %sub3A_92, %sub3A_93 : vector<1600x256xf32>
    %mul3A_95 = vector.broadcast %sub3A_90 : vector<1x256xf32> to vector<1600x256xf32>
    %mul3A_96 = arith.mulf %mul3A_95, %sub3A_94 : vector<1600x256xf32>
    %sub3A_97 = vector.broadcast %get3A_86 : vector<1600x1xf32> to vector<1600x256xf32>
    %sub3A_98 = vector.broadcast %add3A : vector<1x256xf32> to vector<1600x256xf32>
    %sub3A_99 = arith.subf %sub3A_97, %sub3A_98 : vector<1600x256xf32>
    %mul3A_100 = vector.broadcast %sub3A_91 : vector<1x256xf32> to vector<1600x256xf32>
    %mul3A_101 = arith.mulf %mul3A_100, %sub3A_99 : vector<1600x256xf32>
    %sub3A_102 = arith.subf %mul3A_96, %mul3A_101 : vector<1600x256xf32>
    %ge3A = arith.constant 0.000000e+00 : f32
    %ge3A_103 = vector.broadcast %ge3A : f32 to vector<1600x256xf32>
    %ge3A_104 = arith.cmpf oge, %sub3A_102, %ge3A_103 : vector<1600x256xf32>
    %le3A = arith.constant 0.000000e+00 : f32
    %le3A_105 = vector.broadcast %le3A : f32 to vector<1600x256xf32>
    %le3A_106 = arith.cmpf ole, %sub3A_102, %le3A_105 : vector<1600x256xf32>
    %sub3A_107 = arith.subf %add3A_65, %add3A_51 : vector<1x256xf32>
    %sub3A_108 = arith.subf %add3A_69, %add3A_55 : vector<1x256xf32>
    %sub3A_109 = vector.broadcast %get3A_89 : vector<1600x1xf32> to vector<1600x256xf32>
    %sub3A_110 = vector.broadcast %add3A_55 : vector<1x256xf32> to vector<1600x256xf32>
    %sub3A_111 = arith.subf %sub3A_109, %sub3A_110 : vector<1600x256xf32>
    %mul3A_112 = vector.broadcast %sub3A_107 : vector<1x256xf32> to vector<1600x256xf32>
    %mul3A_113 = arith.mulf %mul3A_112, %sub3A_111 : vector<1600x256xf32>
    %sub3A_114 = vector.broadcast %get3A_86 : vector<1600x1xf32> to vector<1600x256xf32>
    %sub3A_115 = vector.broadcast %add3A_51 : vector<1x256xf32> to vector<1600x256xf32>
    %sub3A_116 = arith.subf %sub3A_114, %sub3A_115 : vector<1600x256xf32>
    %mul3A_117 = vector.broadcast %sub3A_108 : vector<1x256xf32> to vector<1600x256xf32>
    %mul3A_118 = arith.mulf %mul3A_117, %sub3A_116 : vector<1600x256xf32>
    %sub3A_119 = arith.subf %mul3A_113, %mul3A_118 : vector<1600x256xf32>
    %ge3A_120 = arith.constant 0.000000e+00 : f32
    %ge3A_121 = vector.broadcast %ge3A_120 : f32 to vector<1600x256xf32>
    %ge3A_122 = arith.cmpf oge, %sub3A_119, %ge3A_121 : vector<1600x256xf32>
    %le3A_123 = arith.constant 0.000000e+00 : f32
    %le3A_124 = vector.broadcast %le3A_123 : f32 to vector<1600x256xf32>
    %le3A_125 = arith.cmpf ole, %sub3A_119, %le3A_124 : vector<1600x256xf32>
    %and3A = arith.andi %ge3A_104, %ge3A_122 : vector<1600x256xi1>
    %and3A_126 = arith.andi %le3A_106, %le3A_125 : vector<1600x256xi1>
    %sub3A_127 = arith.subf %add3A_79, %add3A_65 : vector<1x256xf32>
    %sub3A_128 = arith.subf %add3A_83, %add3A_69 : vector<1x256xf32>
    %sub3A_129 = vector.broadcast %get3A_89 : vector<1600x1xf32> to vector<1600x256xf32>
    %sub3A_130 = vector.broadcast %add3A_69 : vector<1x256xf32> to vector<1600x256xf32>
    %sub3A_131 = arith.subf %sub3A_129, %sub3A_130 : vector<1600x256xf32>
    %mul3A_132 = vector.broadcast %sub3A_127 : vector<1x256xf32> to vector<1600x256xf32>
    %mul3A_133 = arith.mulf %mul3A_132, %sub3A_131 : vector<1600x256xf32>
    %sub3A_134 = vector.broadcast %get3A_86 : vector<1600x1xf32> to vector<1600x256xf32>
    %sub3A_135 = vector.broadcast %add3A_65 : vector<1x256xf32> to vector<1600x256xf32>
    %sub3A_136 = arith.subf %sub3A_134, %sub3A_135 : vector<1600x256xf32>
    %mul3A_137 = vector.broadcast %sub3A_128 : vector<1x256xf32> to vector<1600x256xf32>
    %mul3A_138 = arith.mulf %mul3A_137, %sub3A_136 : vector<1600x256xf32>
    %sub3A_139 = arith.subf %mul3A_133, %mul3A_138 : vector<1600x256xf32>
    %ge3A_140 = arith.constant 0.000000e+00 : f32
    %ge3A_141 = vector.broadcast %ge3A_140 : f32 to vector<1600x256xf32>
    %ge3A_142 = arith.cmpf oge, %sub3A_139, %ge3A_141 : vector<1600x256xf32>
    %le3A_143 = arith.constant 0.000000e+00 : f32
    %le3A_144 = vector.broadcast %le3A_143 : f32 to vector<1600x256xf32>
    %le3A_145 = arith.cmpf ole, %sub3A_139, %le3A_144 : vector<1600x256xf32>
    %and3A_146 = arith.andi %and3A, %ge3A_142 : vector<1600x256xi1>
    %and3A_147 = arith.andi %and3A_126, %le3A_145 : vector<1600x256xi1>
    %sub3A_148 = arith.subf %add3A, %add3A_79 : vector<1x256xf32>
    %sub3A_149 = arith.subf %add3A_41, %add3A_83 : vector<1x256xf32>
    %sub3A_150 = vector.broadcast %get3A_89 : vector<1600x1xf32> to vector<1600x256xf32>
    %sub3A_151 = vector.broadcast %add3A_83 : vector<1x256xf32> to vector<1600x256xf32>
    %sub3A_152 = arith.subf %sub3A_150, %sub3A_151 : vector<1600x256xf32>
    %mul3A_153 = vector.broadcast %sub3A_148 : vector<1x256xf32> to vector<1600x256xf32>
    %mul3A_154 = arith.mulf %mul3A_153, %sub3A_152 : vector<1600x256xf32>
    %sub3A_155 = vector.broadcast %get3A_86 : vector<1600x1xf32> to vector<1600x256xf32>
    %sub3A_156 = vector.broadcast %add3A_79 : vector<1x256xf32> to vector<1600x256xf32>
    %sub3A_157 = arith.subf %sub3A_155, %sub3A_156 : vector<1600x256xf32>
    %mul3A_158 = vector.broadcast %sub3A_149 : vector<1x256xf32> to vector<1600x256xf32>
    %mul3A_159 = arith.mulf %mul3A_158, %sub3A_157 : vector<1600x256xf32>
    %sub3A_160 = arith.subf %mul3A_154, %mul3A_159 : vector<1600x256xf32>
    %ge3A_161 = arith.constant 0.000000e+00 : f32
    %ge3A_162 = vector.broadcast %ge3A_161 : f32 to vector<1600x256xf32>
    %ge3A_163 = arith.cmpf oge, %sub3A_160, %ge3A_162 : vector<1600x256xf32>
    %le3A_164 = arith.constant 0.000000e+00 : f32
    %le3A_165 = vector.broadcast %le3A_164 : f32 to vector<1600x256xf32>
    %le3A_166 = arith.cmpf ole, %sub3A_160, %le3A_165 : vector<1600x256xf32>
    %and3A_167 = arith.andi %and3A_146, %ge3A_163 : vector<1600x256xi1>
    %and3A_168 = arith.andi %and3A_147, %le3A_166 : vector<1600x256xi1>
    %or3A = arith.ori %and3A_167, %and3A_168 : vector<1600x256xi1>
    %sub3A_169 = vector.broadcast %get3A_86 : vector<1600x1xf32> to vector<1600x256xf32>
    %sub3A_170 = vector.broadcast %slice3A : vector<1x256xf32> to vector<1600x256xf32>
    %sub3A_171 = arith.subf %sub3A_169, %sub3A_170 : vector<1600x256xf32>
    %integer_pow3A = arith.mulf %sub3A_171, %sub3A_171 : vector<1600x256xf32>
    %sub3A_172 = vector.broadcast %get3A_89 : vector<1600x1xf32> to vector<1600x256xf32>
    %sub3A_173 = vector.broadcast %slice3A_2 : vector<1x256xf32> to vector<1600x256xf32>
    %sub3A_174 = arith.subf %sub3A_172, %sub3A_173 : vector<1600x256xf32>
    %integer_pow3A_175 = arith.mulf %sub3A_174, %sub3A_174 : vector<1600x256xf32>
    %add3A_176 = arith.addf %integer_pow3A, %integer_pow3A_175 : vector<1600x256xf32>
    %reduce_min3A = arith.constant dense<0x7F800000> : vector<256xf32>
    %reduce_min3A_177 = vector.multi_reduction <minimumf>, %add3A_176, %reduce_min3A [0] : vector<1600x256xf32> to vector<256xf32>
    %broadcast_in_dim3A = vector.shape_cast %reduce_min3A_177 : vector<256xf32> to vector<1x256xf32>
    %iota3A = tpu.iota {dimensions = array<i32: 0>} : vector<1600x256xi32>
    %convert_element_type3A_178 = arith.sitofp %iota3A : vector<1600x256xi32> to vector<1600x256xf32>
    %eq3A = vector.broadcast %broadcast_in_dim3A : vector<1x256xf32> to vector<1600x256xf32>
    %eq3A_179 = arith.cmpf oeq, %add3A_176, %eq3A : vector<1600x256xf32>
    %jit3A_180 = arith.constant 1.600000e+03 : f64
    %convert_element_type3A_181 = arith.truncf %jit3A_180 : f64 to f32
    %broadcast_in_dim3A_182 = vector.broadcast %convert_element_type3A_181 : f32 to vector<1600x256xf32>
    %select_n3A = arith.select %eq3A_179, %convert_element_type3A_178, %broadcast_in_dim3A_182 : vector<1600x256xi1>, vector<1600x256xf32>
    %reduce_min3A_183 = arith.constant dense<0x7F800000> : vector<256xf32>
    %reduce_min3A_184 = vector.multi_reduction <minimumf>, %select_n3A, %reduce_min3A_183 [0] : vector<1600x256xf32> to vector<256xf32>
    %broadcast_in_dim3A_185 = vector.shape_cast %reduce_min3A_184 : vector<256xf32> to vector<1x256xf32>
    %eq3A_186 = vector.broadcast %broadcast_in_dim3A_185 : vector<1x256xf32> to vector<1600x256xf32>
    %eq3A_187 = arith.cmpf oeq, %convert_element_type3A_178, %eq3A_186 : vector<1600x256xf32>
    %or3A_188 = arith.ori %or3A, %eq3A_187 : vector<1600x256xi1>
    %convert_element_type3A_189 = arith.extui %or3A_188 : vector<1600x256xi1> to vector<1600x256xi32>
    %convert_element_type3A_190 = arith.sitofp %convert_element_type3A_189 : vector<1600x256xi32> to vector<1600x256xf32>
    %get3A_191 = arith.constant 0 : index
    %get3A_192 = arith.constant 0 : index
    %get3A_193 = vector.load %arg3[%get3A_191, %get3A_192] : memref<256x512xf32, #tpu.memory_space<vmem>>, vector<256x512xf32>
    %dot_general3A = arith.constant dense<0.000000e+00> : vector<1600x512xf32>
    %dot_general3A_194 = tpu.matmul %convert_element_type3A_190, %get3A_193, %dot_general3A {dimension_numbers = #tpu.dot_dimension_numbers<[1], [0], [0], [1], [0, 0, 1, 1], [], []>, precision = #tpu.contract_precision<fp32>, transpose_lhs_hint = false} : vector<1600x256xf32>, vector<256x512xf32>, vector<1600x512xf32> -> vector<1600x512xf32>
    %slice3A_195 = vector.extract_strided_slice %dot_general3A_194 {offsets = [0, 0], sizes = [1600, 256], strides = [1, 1]} : vector<1600x512xf32> to vector<1600x256xf32>
    %slice3A_196 = vector.extract_strided_slice %dot_general3A_194 {offsets = [0, 256], sizes = [1600, 256], strides = [1, 1]} : vector<1600x512xf32> to vector<1600x256xf32>
    %mul3A_197 = arith.constant 5.000000e-01 : f32
    %mul3A_198 = vector.broadcast %mul3A_197 : f32 to vector<1600x256xf32>
    %mul3A_199 = arith.mulf %slice3A_195, %mul3A_198 : vector<1600x256xf32>
    %floor3A = math.floor %mul3A_199 : vector<1600x256xf32>
    %mul3A_200 = arith.constant 2.000000e+00 : f32
    %mul3A_201 = vector.broadcast %mul3A_200 : f32 to vector<1600x256xf32>
    %mul3A_202 = arith.mulf %floor3A, %mul3A_201 : vector<1600x256xf32>
    %sub3A_203 = arith.subf %slice3A_195, %mul3A_202 : vector<1600x256xf32>
    %eq3A_204 = arith.constant 1.000000e+00 : f32
    %eq3A_205 = vector.broadcast %eq3A_204 : f32 to vector<1600x256xf32>
    %eq3A_206 = arith.cmpf oeq, %sub3A_203, %eq3A_205 : vector<1600x256xf32>
    %eq3A_207 = arith.constant 0.000000e+00 : f32
    %eq3A_208 = vector.broadcast %eq3A_207 : f32 to vector<1600x256xf32>
    %eq3A_209 = arith.cmpf oeq, %slice3A_196, %eq3A_208 : vector<1600x256xf32>
    %and3A_210 = arith.andi %eq3A_206, %eq3A_209 : vector<1600x256xi1>
    %convert_element_type3A_211 = arith.extui %and3A_210 : vector<1600x256xi1> to vector<1600x256xi32>
    %convert_element_type3A_212 = arith.sitofp %convert_element_type3A_211 : vector<1600x256xi32> to vector<1600x256xf32>
    %mul3A_213 = arith.mulf %convert_element_type3A_190, %convert_element_type3A_212 : vector<1600x256xf32>
    %get3A_214 = arith.constant 0 : index
    %get3A_215 = arith.constant 0 : index
    %get3A_216 = vector.load %arg0[%get3A_214, %get3A_215] : memref<8x1600xf32, #tpu.memory_space<vmem>>, vector<8x1600xf32>
    %get3A_217 = arith.constant 0 : index
    %get3A_218 = arith.constant 0 : index
    %get3A_219 = vector.load %arg4[%get3A_217, %get3A_218] : memref<8x256xf32, #tpu.memory_space<vmem>>, vector<8x256xf32>
    %dot_general3A_220 = arith.constant dense<0.000000e+00> : vector<1600x256xf32>
    %dot_general3A_221 = tpu.matmul %get3A_216, %get3A_219, %dot_general3A_220 {dimension_numbers = #tpu.dot_dimension_numbers<[0], [0], [1], [1], [0, 1, 1, 1], [], []>, precision = #tpu.contract_precision<fp32>, transpose_lhs_hint = false} : vector<8x1600xf32>, vector<8x256xf32>, vector<1600x256xf32> -> vector<1600x256xf32>
    %reduce_sum3A = arith.constant dense<0.000000e+00> : vector<256xf32>
    %reduce_sum3A_222 = vector.multi_reduction <add>, %mul3A_213, %reduce_sum3A [0] : vector<1600x256xf32> to vector<256xf32>
    %broadcast_in_dim3A_223 = vector.shape_cast %reduce_sum3A_222 : vector<256xf32> to vector<1x256xf32>
    %mul3A_224 = arith.mulf %mul3A_213, %dot_general3A_221 : vector<1600x256xf32>
    %reduce_sum3A_225 = arith.constant dense<0.000000e+00> : vector<256xf32>
    %reduce_sum3A_226 = vector.multi_reduction <add>, %mul3A_224, %reduce_sum3A_225 [0] : vector<1600x256xf32> to vector<256xf32>
    %broadcast_in_dim3A_227 = vector.shape_cast %reduce_sum3A_226 : vector<256xf32> to vector<1x256xf32>
    %gt3A = arith.constant 0.000000e+00 : f32
    %gt3A_228 = vector.broadcast %gt3A : f32 to vector<1x256xf32>
    %gt3A_229 = arith.cmpf ogt, %broadcast_in_dim3A_223, %gt3A_228 : vector<1x256xf32>
    %max3A_230 = arith.constant 1.000000e+00 : f32
    %max3A_231 = vector.broadcast %max3A_230 : f32 to vector<1x256xf32>
    %max3A_232 = arith.maximumf %broadcast_in_dim3A_223, %max3A_231 : vector<1x256xf32>
    %div3A_233 = arith.divf %broadcast_in_dim3A_227, %max3A_232 : vector<1x256xf32>
    %jit3A_234 = arith.constant 0.000000e+00 : f64
    %convert_element_type3A_235 = arith.truncf %jit3A_234 : f64 to f32
    %broadcast_in_dim3A_236 = vector.broadcast %convert_element_type3A_235 : f32 to vector<1x256xf32>
    %select_n3A_237 = arith.select %gt3A_229, %div3A_233, %broadcast_in_dim3A_236 : vector<1x256xi1>, vector<1x256xf32>
    %reduce_sum3A_238 = vector.shape_cast %select_n3A_237 : vector<1x256xf32> to vector<1x1x256xf32>
    %reduce_sum3A_239 = arith.constant dense<0.000000e+00> : vector<1xf32>
    %reduce_sum3A_240 = vector.multi_reduction <add>, %reduce_sum3A_238, %reduce_sum3A_239 [1, 2] : vector<1x1x256xf32> to vector<1xf32>
    %reduce_sum3A_241 = vector.shape_cast %reduce_sum3A_240 : vector<1xf32> to vector<1x1x1xf32>
    %reduce_sum3A_242 = vector.extract %reduce_sum3A_241[0, 0, 0] : f32 from vector<1x1x1xf32>
    %neg3A = arith.constant 0.000000e+00 : f32
    %neg3A_243 = arith.subf %neg3A, %reduce_sum3A_242 : f32
    %convert_element_type3A_244 = arith.extui %gt3A_229 : vector<1x256xi1> to vector<1x256xi32>
    %convert_element_type3A_245 = arith.sitofp %convert_element_type3A_244 : vector<1x256xi32> to vector<1x256xf32>
    %reduce_sum3A_246 = vector.shape_cast %convert_element_type3A_245 : vector<1x256xf32> to vector<1x1x256xf32>
    %reduce_sum3A_247 = arith.constant dense<0.000000e+00> : vector<1xf32>
    %reduce_sum3A_248 = vector.multi_reduction <add>, %reduce_sum3A_246, %reduce_sum3A_247 [1, 2] : vector<1x1x256xf32> to vector<1xf32>
    %reduce_sum3A_249 = vector.shape_cast %reduce_sum3A_248 : vector<1xf32> to vector<1x1x1xf32>
    %reduce_sum3A_250 = vector.extract %reduce_sum3A_249[0, 0, 0] : f32 from vector<1x1x1xf32>
    %max3A_251 = arith.constant 1.000000e+00 : f32
    %max3A_252 = arith.maximumf %reduce_sum3A_250, %max3A_251 : f32
    %div3A_253 = arith.divf %neg3A_243, %max3A_252 : f32
    %swap3A = arith.constant 0 : index
    %swap3A_254 = arith.constant 0 : index
    %swap3A_255 = memref.load %arg5[%swap3A, %swap3A_254] : memref<1x1xf32, #tpu.memory_space<smem>>
    memref.store %div3A_253, %arg5[%swap3A, %swap3A_254] : memref<1x1xf32, #tpu.memory_space<smem>>
    return
  }
}

</mosaic_0001>

<sc_bundles>
// kernel: kernel.5.cloned.1.call-start
scs
__scs_entry_jumppad:
0x0: {  	(pc) =	sbr.rel $0x88, $3  }
0x1: {  	(tag) =	ssettag $0x0;
	lr =	simm.s32 $0x1  }
0x2: {  	[smem:$0x3F9F] =	sst lr;
	_ =	strace $0xD0000000  }
0x3: {  	_ = 	snop  }
0x4: {  	_ = 	snop  }
0x5: {  	_ = 	snop  }
0x6: {  	_ = 	snop  }
0x7: {  	_ = 	snop  }
__scs_overlays_trampoline_lowered:
0x8: {  	[smem:$0x3FAE] =	sst s0  }
0x9: {  	[smem:$0x3FAF] =	sst s1  }
0xa: {  	[smem:$0x3FB0] =	sst s2  }
0xb: {  	[smem:$0x3FB1] =	sst s3  }
0xc: {  	[smem:$0x3FB2] =	sst s4  }
0xd: {  	[smem:$0x3FB3] =	sst s5  }
0xe: {  	[smem:$0x3FB4] =	sst s6  }
0xf: {  	[smem:$0x3FB5] =	sst s7  }
0x10: {  	[smem:$0x3FB6] =	sst s8  }
0x11: {  	[smem:$0x3FB7] =	sst s9;
	s0 =	simm.s32 @!p0 $0x0  }
0x12: {  	s1 =	sld [smem:$0x3F9D];
	s0 =	simm.s32 @p0 $0x1  }
0x13: {  	[smem:$0x3FB8] =	sst s0;
	s0 =	simm.s32 @!p1 $0x0  }
0x14: {  	s2 =	sld [smem:$0x3F9C];
	s0 =	simm.s32 @p1 $0x1  }
0x15: {  	[smem:$0x3FB9] =	sst s0;
	s0 =	simm.s32 @!p2 $0x0  }
0x16: {  	s3 =	sld [smem:$0x3FDB];
	s0 =	simm.s32 @p2 $0x1  }
0x17: {  	s4 =	simm.s32 $0x1BF5;
	[smem:$0x3FBB] =	sst s0  }
0x18: {  	s0 =	sld [smem:$0x3F9E];
	_ =	swait.ge [sflag:s4], $0x0  }
0x19: {  	s7 =	sld [smem:$0x3F9F]  }
0x1a: {  	s8 =	sadd.s32 $0xFFFFE003, lr  }
0x1b: {  	s9 =	sadd.s32 $0xFFFFFEF7, lr;
	s5 =	simm.s32 $0xFFFFFFFF;
	p2 =	slt.u32 s8, $0xFFFFF086  }
0x1c: {  	p1 =	slt.u32 s9, $0xF7A;
	s5 =	simm.s32 @!p2 $0x0  }
0x1d: {  	s5 =	simm.s32 @p1 $0x1;
	p0 =	seq.s32 s7, s2  }
0x1e: {  	s7 =	smul.u32 @!p0 $0xF7A, s2;
	p2 =	seq.s32 @!p0 s5, $0x0  }
0x1f: {  	s9 =	smul.u32 $0xF7A, s1;
	s8 =	simm.s32 @!p0 $0x1BF5;
	p2 =	por !p2, p0  }
0x20: {  	[sflag:s8] =	ssyncset.s32 @!p0 $0xFFFFF086;
	s6 =	sadd.s32 @!p0 s3, s7;
	s7 =	simm.s32 @!p0 $0x108  }
0x21: {  	s3 =	sadd.s32 s3, s9;
	s6 =	sadd.s32 @!p0 $0x88, s6;
	s7 =	simm.s32 @p2 $0x1082  }
0x22: {  	[simem:s7], [sflag:s8] =	dma.local @!p0 [hbm:s6], $0xF7A  }
0x23: {  	s9 =	sor.u32 $0xD0000000, s2;
	s6 =	simm.s32 $0x108;
	_ =	swait.ge @!p0 [sflag:s8], $0x0  }
0x24: {  	s3 =	sadd.s32 $0x88, s3;
	s6 =	simm.s32 @!p1 $0x1082;
	[sflag:s4] =	ssyncset.s32 $0xFFFFF086  }
0x25: {  	[simem:s6], [sflag:s4] =	dma.local [hbm:s3], $0xF7A  }
0x26: {  	[smem:$0x3F9F] =	sst s1;
	(tag) =	ssettag s2;
	_ =	strace s9  }
0x27: {  	s1 =	sld [smem:$0x3FAF]  }
0x28: {  	s2 =	sld [smem:$0x3FB0]  }
0x29: {  	s4 =	sld [smem:$0x3FB2]  }
0x2a: {  	p0 =	seq.s32 s5, $0x0;
	s5 =	sld [smem:$0x3FB3]  }
0x2b: {  	s6 =	sld [smem:$0x3FB4]  }
0x2c: {  	s7 =	sld [smem:$0x3FB5]  }
0x2d: {  	s3 =	simm.s32 $0x108;
	s8 =	sld [smem:$0x3FB6]  }
0x2e: {  	s3 =	simm.s32 @!p0 $0x1082;
	s9 =	sld [smem:$0x3FB7]  }
0x2f: {  	lr =	sadd.s32 s0, s3;
	s0 =	sld [smem:$0x3FAE]  }
0x30: {  	s3 =	sld [smem:$0x3FB1]  }
0x31: {  	[smem:$0x3FBA] =	sst s10  }
0x32: {  	s10 =	sld [smem:$0x3FB8];
	_ =	sdelay $0x3  }
0x33: {  	p0 =	seq.s32 s10, $0x1;
	s10 =	sld [smem:$0x3FBA];
	_ =	sdelay $0x3  }
0x34: {  	[smem:$0x3FBA] =	sst s10  }
0x35: {  	s10 =	sld [smem:$0x3FB9];
	_ =	sdelay $0x3  }
0x36: {  	p1 =	seq.s32 s10, $0x1;
	s10 =	sld [smem:$0x3FBA];
	_ =	sdelay $0x3  }
0x37: {  	[smem:$0x3FBA] =	sst s10  }
0x38: {  	s10 =	sld [smem:$0x3FBB]  }
0x39: {  	_ = 	snop;
	(pc) =	sbr.ind lr, $3  }
0x3a: {  	_ = 	snop  }
0x3b: {  	_ = 	snop  }
0x3c: {  	p2 =	seq.s32 s10, $0x1;
	s10 =	sld [smem:$0x3FBA]  }
0x3d: {  	_ =	shalt  }
0x3e: {  	_ =	shalt  }
0x3f: {  	_ =	shalt  }
0x40: {  	_ =	shalt  }
0x41: {  	_ =	shalt  }
0x42: {  	_ =	shalt  }
0x43: {  	_ =	shalt  }
0x44: {  	_ =	shalt  }
0x45: {  	_ =	shalt  }
0x46: {  	_ =	shalt  }
0x47: {  	_ =	shalt  }
0x48: {  	_ =	shalt  }
0x49: {  	_ =	shalt  }
0x4a: {  	_ =	shalt  }
0x4b: {  	_ =	shalt  }
0x4c: {  	_ =	shalt  }
0x4d: {  	_ =	shalt  }
0x4e: {  	_ =	shalt  }
0x4f: {  	_ =	shalt  }
0x50: {  	_ =	shalt  }
0x51: {  	_ =	shalt  }
0x52: {  	_ =	shalt  }
0x53: {  	_ =	shalt  }
0x54: {  	_ =	shalt  }
0x55: {  	_ =	shalt  }
0x56: {  	_ =	shalt  }
0x57: {  	_ =	shalt  }
0x58: {  	_ =	shalt  }
0x59: {  	_ =	shalt  }
0x5a: {  	_ =	shalt  }
0x5b: {  	_ =	shalt  }
0x5c: {  	_ =	shalt  }
0x5d: {  	_ =	shalt  }
0x5e: {  	_ =	shalt  }
0x5f: {  	_ =	shalt  }
0x60: {  	_ =	shalt  }
0x61: {  	_ =	shalt  }
0x62: {  	_ =	shalt  }
0x63: {  	_ =	shalt  }
0x64: {  	_ =	shalt  }
0x65: {  	_ =	shalt  }
0x66: {  	_ =	shalt  }
0x67: {  	_ =	shalt  }
0x68: {  	_ =	shalt  }
0x69: {  	_ =	shalt  }
0x6a: {  	_ =	shalt  }
0x6b: {  	_ =	shalt  }
0x6c: {  	_ =	shalt  }
0x6d: {  	_ =	shalt  }
0x6e: {  	_ =	shalt  }
0x6f: {  	_ =	shalt  }
0x70: {  	_ =	shalt  }
0x71: {  	_ =	shalt  }
0x72: {  	_ =	shalt  }
0x73: {  	_ =	shalt  }
0x74: {  	_ =	shalt  }
0x75: {  	_ =	shalt  }
0x76: {  	_ =	shalt  }
0x77: {  	_ =	shalt  }
0x78: {  	_ =	shalt  }
0x79: {  	_ =	shalt  }
0x7a: {  	_ =	shalt  }
0x7b: {  	_ =	shalt  }
0x7c: {  	_ =	shalt  }
0x7d: {  	_ =	shalt  }
0x7e: {  	_ =	shalt  }
0x7f: {  	_ =	shalt  }
0x80: {  	_ =	shalt  }
0x81: {  	_ =	shalt  }
0x82: {  	_ =	shalt  }
0x83: {  	_ =	shalt  }
0x84: {  	_ =	shalt  }
0x85: {  	_ =	shalt  }
0x86: {  	_ =	shalt  }
0x87: {  	_ =	shalt  }
.Lfunc_end0:
.L_simem_size_0:
called_computation_lowered:
.L_overlay_start_0:
0x88: {  	s2 =	sld [smem:$0x3FD9]  }
0x89: {  	s3 =	sld [smem:$0x3FFE];
	_ =	sdelay $0x1  }
0x8a: {  	s1 =	srdreg.scid  }
0x8b: {  	s0 =	sand.u32 $0x1, s1  }
0x8c: {  	s17 =	sshll.u32 s0, $0xA;
	s2 =	sadd.s32 s3, s2  }
0x8d: {  	s2 =	sadd.s32 s2, s17  }
0x8e: {  	[smem:$0x3FC6] =	sst s2  }
0x8f: {  	_ = 	snop  }
0x90: {  	s2 =	sld [smem:$0x3FC9];
	(tm) =	ssettm $0x1  }
0x91: {  	s18 =	sld [smem:$0x3FFB];
	_ =	sdelay $0x3  }
0x92: {  	_ =	strace s18  }
0x93: {  	s3 =	sld [smem:$0x3FFC];
	_ =	sdelay $0x3  }
0x94: {  	_ =	strace s3  }
0x95: {  	s3 =	sld [smem:$0x3FFD];
	_ =	sdelay $0x3  }
0x96: {  	_ =	strace s3  }
0x97: {  	_ =	strace $0x8FFFFFFF  }
0x98: {  	s19 =	sld [smem:$0x3FDB];
	_ =	sdelay $0x1  }
0x99: {  	s4 =	simm.s32 $_scs_section_size  }
0x9a: {  	s5 =	simm.s32 $_size__tile_overlayer_lowered;
	s6 =	simm.s32 $_tile_overlayer_lowered  }
0x9b: {  	s22 =	simm.s32 $0x1BFF;
	s21 =	sshll.u32 s6, $0x1;
	s3 =	sadd.s32 s4, s19  }
0x9c: {  	s7 =	simm.s32 $0x0;
	s20 =	sshll.u32 s5, $0x1;
	s5 =	sadd.s32 s21, s3  }
0x9d: {  	[timem:s7], [sflag:s22] =	dma.local [hbm:s5], s20  }
0x9e: {  	_ =	swait.ge [sflag:s22], s20  }
0x9f: {  	s4 =	ssub.s32 $0x0, s20;
	[sflag:s22] =	ssyncset.done $0x0  }
0xa0: {  	[sflag:s22] =	ssyncadd.s32 s4;
	_ =	sdelay $0x1  }
0xa1: {  	s23 =	simm.s32 $0x1B8B  }
0xa2: {  	_ =	swait.ge [sflag:s23], $0x1  }
0xa3: {  	[sflag:s23] =	ssyncset.done $0x0  }
0xa4: {  	s25 =	simm.s32 $0x1B8E;
	s24 =	sld [smem:$0x3FFE];
	[sflag:s23] =	ssyncadd.s32 $0xFFFFFFFF  }
0xa5: {  	s26 =	simm.s32 $execute0_lowered;
	[smem:$0x3FD2] =	sst s25  }
0xa6: {  	s5 =	sshll.u32 s26, $0x1;
	_ =	strace $0x80000046;
	[dreg:$0x1] =	wrdreg $0xFFFFFFFF  }
0xa7: {  	s28 =	simm.s32 $_size_execute0_lowered;
	s3 =	sadd.s32 s3, s5;
	[dreg:$0x0] =	wrdreg $0x0  }
0xa8: {  	s5 =	sshll.u32 s28, $0x1;
	[dreg:$0x2] =	wrdreg s3  }
0xa9: {  	[dreg:$0x3] =	wrdreg s5  }
0xaa: {  	[dreg:$0x4] =	wrdreg $0xC0  }
0xab: {  	_ =	task [dreg:s7], $0x5FFFF  }
0xac: {  	[dreg:$0x1] =	wrdreg $0xFFFFFFFF  }
0xad: {  	[dreg:$0x0] =	wrdreg $0x60  }
0xae: {  	[dreg:$0x2] =	wrdreg s2  }
0xaf: {  	[dreg:$0x3] =	wrdreg s24  }
0xb0: {  	[dreg:$0x4] =	wrdreg $0x9  }
0xb1: {  	_ =	task.clear_ibuf [dreg:s7], $0x5FFFF;
	_ =	strace $0x90000046  }
0xb2: {  	s29 =	simm.s32 $0x9;
	_ =	strace $0x80000048  }
0xb3: {  	_ =	swait.ge [sflag:s29], $0x1  }
0xb4: {  	[sflag:s29] =	ssyncadd.s32 $0xFFFFFFFF  }
0xb5: {  	_ =	strace $0x90000048  }
0xb6: {  	_ =	sfence  }
0xb7: {  	s30 =	sld [smem:$0x0];
	_ =	sdelay $0x2  }
0xb8: {  	s31 =	sshll.u32 s1, $0xD;
	s1 =	sshrl.u32 s1, $0x2  }
0xb9: {  	s3 =	sand.u32 $0x4000, s31;
	s1 =	sadd.s32 s1, s30  }
0xba: {  	s0 =	sor.u32 s3, s0;
	s1 =	sshll.u32 s1, $0x11  }
0xbb: {  	s0 =	sor.u32 s1, s0  }
0xbc: {  	s0 =	sadd.s32 $0x8F2B, s0  }
0xbd: {  	[sflag:s0] =	ssyncadd.remote.s32 $0x1  }
0xbe: {  	_ =	sfence.sel $0xFFFF  }
0xbf: {  	[dreg:$0x0] =	wrdreg $0xFFFFFFFF;
	(pc) =	sbr.abs _section_cstart, $3  }
0xc0: {  	[dreg:$0x1] =	wrdreg $0xFFFFFFFF  }
0xc1: {  	_ =	task.clear_ibuf [dreg:s7], $0x2FFFF;
	_ =	strace $0x9FFFFFFF  }
0xc2: {  	(tm) =	ssettm $0x7FFFFFFF  }
0xc3: {  	_ =	shalt  }
tec
execute0_lowered:
.L_overlay_start_1:
0x0: {  	(tag) =	ssettag $0x1  }
0x1: {  	v0 =	vlaneseq.u32  }
0x2: {  	v0 =	vmul.u32 $0x10, v0;
	_ =	sdelay $0x1  }
0x3: {  	v1 =	vor.u32 $0x1, v0  }
0x4: {  	s3 =	rddreg [dreg:$0x0];
	v2 =	vor.u32 $0x2, v0;
	v3 =	vor.u32 $0x3, v0;
	v4 =	vor.u32 $0x4, v0  }
0x5: {  	s4 =	rddreg [dreg:$0x1];
	s2 =	srdreg.scid;
	v5 =	vor.u32 $0x5, v0;
	v6 =	vor.u32 $0x6, v0;
	v7 =	vor.u32 $0x7, v0  }
0x6: {  	s0 =	rddreg [dreg:$0x2];
	s1 =	stileid.u32;
	s9 =	simm.s32 $0x8800;
	v8 =	vor.u32 $0x8, v0;
	v9 =	vor.u32 $0x9, v0;
	v10 =	vor.u32 $0xA, v0  }
0x7: {  	s10 =	simm.s32 $0x2;
	s11 =	simm.s32 $0x0;
	s5 =	sand.u32 $0x1, s2;
	v11 =	vor.u32 $0xB, v0;
	v12 =	vor.u32 $0xC, v0;
	v13 =	vor.u32 $0xD, v0  }
0x8: {  	s2 =	simm.s32 $0x0;
	s6 =	sshll.u32 s1, $0x7;
	s7 =	sshll.u32 s5, $0x6;
	v14 =	vor.u32 $0xE, v0;
	v15 =	vor.u32 $0xF, v0;
	v16 =	vor.u32 $0x100, v0  }
0x9: {  	[smem:$0x7FF] =	sst s2;
	s5 =	ssub.s32 $0x2, s5;
	s6 =	sor.u32 s7, s6;
	v17 =	vor.u32 $0x101, v0;
	v18 =	vor.u32 $0x102, v0;
	v19 =	vor.u32 $0x103, v0  }
0xa: {  	_ =	strace $0x80000047;
	s8 =	sshrl.u32 s5, $0x1;
	v20 =	vor.u32 $0x104, v0;
	v21 =	vor.u32 $0x105, v0;
	v22 =	vor.u32 $0x106, v0;
	s7 =	sshrl.u32 s6, $0x3  }
0xb: {  	v23 =	vor.u32 $0x107, v0;
	v24 =	vor.u32 $0x108, v0;
	v25 =	vor.u32 $0x109, v0;
	s5 =	ssub.s32 s5, s8;
	s6 =	sshll.u32 s6, $0x6;
	s8 =	simm.s32 $0x8400  }
0xc: {  	v26 =	vor.u32 $0x10A, v0;
	v27 =	vor.u32 $0x10B, v0;
	v28 =	vor.u32 $0x10C, v0;
	s4 =	sadd.s32 s7, s4;
	s3 =	sadd.s32 s3, s6;
	s5 =	smax.u32 s5, $0x1  }
0xd: {  	v29 =	vor.u32 $0x10D, v0;
	v30 =	vor.u32 $0x10E, v0;
	v31 =	vor.u32 $0x10F, v0;
	s6 =	simm.s32 $0x1;
	s7 =	simm.s32 $0x8000;
	s4 =	sadd.s32 $0x800, s4  }
.LBB2_1:
0xe: {  	[tilespmem:s2], [sflag:$0x1] =	stream.linear.gather [hbm4b:s3+s2], $0x8000, $0x38;
	[tilespmem:$0x8880] =	vst v63  }
0xf: {  	_ =	swait.ge [sflag:s6], $0x8000  }
0x10: {  	s12 =	sand.u32 $0x7000, s2;
	s13 =	sand.u32 $0x380, s2;
	[sflag:s6] =	ssyncset.done $0x0  }
0x11: {  	s14 =	sor.u32 s13, s12;
	[sflag:s6] =	ssyncadd.s32 $0xFFFF8000  }
0x12: {  	v33 =	vld [tilespmem:s14+$0x460]  }
0x13: {  	v35 =	vld [tilespmem:s14+$0x400]  }
0x14: {  	v36 =	vld [tilespmem:s14+$0x430]  }
0x15: {  	v38 =	vld [tilespmem:s14+$0x420]  }
0x16: {  	v32 =	vld [tilespmem:s14+$0x70]  }
0x17: {  	v39 =	vld [tilespmem:s14+$0x40]  }
0x18: {  	v40 =	vld [tilespmem:s14+$0x30]  }
0x19: {  	v41 =	vld [tilespmem:s14+$0x60]  }
0x1a: {  	v42 =	vld [tilespmem:s14+$0x20]  }
0x1b: {  	v48 =	vld [tilespmem:s14+$0x10]  }
0x1c: {  	v51 =	vld [tilespmem:s14+$0x50]  }
0x1d: {  	v50 =	vld [tilespmem:s14+$0x0]  }
0x1e: {  	v34 =	vld [tilespmem:s14+$0x450];
	v43 =	vmul.f32 v32, v32  }
0x1f: {  	v53 =	vld [tilespmem:s14+$0x410];
	v44 =	vmul.f32 v40, v40;
	v40 =	vadd.f32 v32, v40;
	v46 =	vmul.f32 v36, v36  }
0x20: {  	v55 =	vld [tilespmem:s14+$0x800];
	v47 =	vmul.f32 v41, v41;
	v41 =	vadd.f32 v41, v42;
	v42 =	vmul.f32 v42, v42  }
0x21: {  	v52 =	vmul.f32 v48, v48;
	v60 =	vmul.f32 v51, v51;
	v44 =	vadd.f32 v43, v44;
	v43 =	vld [tilespmem:s14+$0x470]  }
0x22: {  	v45 =	vmul.f32 v39, v39;
	v39 =	vadd.f32 v39, v50;
	v54 =	vadd.f32 v36, v40;
	v36 =	vld [tilespmem:s14+$0x440]  }
0x23: {  	v37 =	vmul.f32 v38, v38;
	v32 =	vld [tilespmem:s14+$0x820];
	v56 =	vadd.f32 v51, v48;
	v38 =	vadd.f32 v38, v41  }
0x24: {  	v62 =	vmul.f32 v53, v53;
	v49 =	vadd.f32 v47, v42;
	v42 =	vld [tilespmem:s14+$0x830];
	v61 =	vadd.f32 v60, v52  }
0x25: {  	v63 =	vmul.f32 v34, v34;
	v39 =	vadd.f32 v35, v39;
	v47 =	vadd.f32 v46, v44;
	v44 =	vld [tilespmem:s14+$0x870]  }
0x26: {  	v40 =	vmul.f32 v35, v35;
	v35 =	vld [tilespmem:s14+$0x840];
	v53 =	vadd.f32 v53, v56;
	v41 =	vadd.f32 v62, v61  }
0x27: {  	v48 =	vld [tilespmem:s14+$0x810];
	v51 =	vmul.f32 v50, v50;
	v54 =	vadd.f32 v43, v54;
	v39 =	vadd.f32 v36, v39  }
0x28: {  	s15 =	simm.s32 $0x200;
	s16 =	simm.s32 $0x8000;
	s17 =	simm.s32 $0x8400;
	v38 =	vadd.f32 v33, v38;
	v46 =	vmul.f32 v33, v33;
	v33 =	vld [tilespmem:s14+$0xC70];
	v50 =	vadd.f32 v63, v41  }
0x29: {  	s18 =	simm.s32 $0x0;
	s12 =	simm.s32 $0x8000;
	s13 =	simm.s32 $0x8400;
	v41 =	vmul.f32 v55, v55;
	v52 =	vadd.f32 v42, v54;
	v54 =	vadd.f32 v55, v39;
	v39 =	vld [tilespmem:s14+$0x850]  }
.LBB2_2:
0x2a: {  	v45 =	vadd.f32 v45, v51;
	v37 =	vadd.f32 v37, v49;
	v49 =	vmul.f32 v44, v44;
	v51 =	vld [tilespmem:s14+$0xC30];
	s16 =	sadd.s32 $0x10, s16;
	s17 =	sadd.s32 $0x10, s17;
	s18 =	sadd.s32 $0x80, s18  }
0x2b: {  	p0 =	sne.s32 s15, $0x7E00;
	v43 =	vmul.f32 v43, v43;
	v44 =	vadd.f32 v44, v52;
	s19 =	smov.u32 s15;
	s15 =	sadd.s32 $0x200, s15;
	v54 =	vadd.f32 v35, v54;
	v52 =	vld [tilespmem:s14+$0xC10]  }
0x2c: {  	v34 =	vadd.f32 v34, v53;
	v37 =	vadd.f32 v46, v37;
	v46 =	vmul.f32 v48, v48;
	v53 =	vld [tilespmem:s14+$0x860]  }
0x2d: {  	v42 =	vmul.f32 v42, v42;
	v40 =	vadd.f32 v40, v45;
	v43 =	vadd.f32 v43, v47;
	v45 =	vld [tilespmem:s14+$0xC50]  }
0x2e: {  	v34 =	vadd.f32 v48, v34;
	v46 =	vadd.f32 v46, v50;
	v47 =	vmul.f32 v39, v39;
	v48 =	vld [tilespmem:s14+$0xC00]  }
0x2f: {  	v36 =	vmul.f32 v36, v36;
	v38 =	vadd.f32 v32, v38;
	v42 =	vadd.f32 v42, v43  }
0x30: {  	v44 =	vadd.f32 v51, v44;
	v43 =	vadd.f32 v47, v46;
	v46 =	vmul.f32 v52, v52;
	v47 =	vld [tilespmem:s14+$0xC40]  }
0x31: {  	v32 =	vmul.f32 v32, v32;
	v36 =	vadd.f32 v36, v40;
	v38 =	vadd.f32 v53, v38;
	v40 =	vld [tilespmem:s14+$0xC20]  }
0x32: {  	v44 =	vadd.f32 v33, v44;
	v43 =	vadd.f32 v46, v43;
	v46 =	vmul.f32 v45, v45  }
0x33: {  	v32 =	vadd.f32 v32, v37;
	v37 =	vadd.f32 v48, v54;
	v48 =	vmul.f32 v48, v48  }
0x34: {  	v35 =	vmul.f32 v35, v35;
	v36 =	vadd.f32 v41, v36;
	v41 =	vadd.f32 v46, v43;
	v43 =	vld [tilespmem:s14+$0xC60]  }
0x35: {  	v34 =	vadd.f32 v39, v34;
	v39 =	vmul.f32 v53, v53;
	v37 =	vadd.f32 v47, v37  }
0x36: {  	v35 =	vadd.f32 v35, v36;
	v36 =	vadd.f32 v40, v38;
	v38 =	vmul.f32 v40, v40  }
0x37: {  	v34 =	vadd.f32 v52, v34;
	v32 =	vadd.f32 v39, v32;
	v39 =	vmul.f32 v51, v51  }
0x38: {  	v35 =	vadd.f32 v48, v35;
	v40 =	vadd.f32 v49, v42;
	v42 =	vmul.f32 v47, v47  }
0x39: {  	v34 =	vadd.f32 v45, v34;
	v32 =	vadd.f32 v38, v32;
	v38 =	vmul.f32 v43, v43  }
0x3a: {  	v33 =	vmul.f32 v33, v33;
	v39 =	vadd.f32 v39, v40;
	v36 =	vadd.f32 v43, v36  }
0x3b: {  	v35 =	vadd.f32 v42, v35;
	v32 =	vadd.f32 v38, v32  }
0x3c: {  	v34 =	vadd.f32 v34, v37;
	v36 =	vadd.f32 v44, v36  }
0x3d: {  	v33 =	vadd.f32 v33, v39;
	v35 =	vadd.f32 v41, v35  }
0x3e: {  	v34 =	vadd.f32 v36, v34  }
0x3f: {  	v32 =	vadd.f32 v33, v32  }
0x40: {  	[tilespmem:s12+$0x0] =	vst v34;
	s12 =	smov.u32 s16  }
0x41: {  	s14 =	sand.u32 $0x7000, s19;
	s19 =	sand.u32 $0x380, s18;
	v32 =	vadd.f32 v32, v35  }
0x42: {  	s14 =	sor.u32 s19, s14  }
0x43: {  	[tilespmem:s13+$0x0] =	vst v32;
	s13 =	smov.u32 s17  }
0x44: {  	v33 =	vld [tilespmem:s14+$0x460]  }
0x45: {  	v35 =	vld [tilespmem:s14+$0x400]  }
0x46: {  	v36 =	vld [tilespmem:s14+$0x430]  }
0x47: {  	v38 =	vld [tilespmem:s14+$0x420]  }
0x48: {  	v32 =	vld [tilespmem:s14+$0x70]  }
0x49: {  	v39 =	vld [tilespmem:s14+$0x40]  }
0x4a: {  	v34 =	vld [tilespmem:s14+$0x30]  }
0x4b: {  	v40 =	vld [tilespmem:s14+$0x60]  }
0x4c: {  	v41 =	vld [tilespmem:s14+$0x20]  }
0x4d: {  	v37 =	vmul.f32 v38, v38;
	v48 =	vld [tilespmem:s14+$0x10]  }
0x4e: {  	v43 =	vmul.f32 v32, v32;
	v42 =	vld [tilespmem:s14+$0x0]  }
0x4f: {  	v47 =	vmul.f32 v36, v36;
	v44 =	vmul.f32 v34, v34;
	v50 =	vld [tilespmem:s14+$0x50];
	v46 =	vadd.f32 v32, v34  }
0x50: {  	v34 =	vld [tilespmem:s14+$0x450]  }
0x51: {  	v45 =	vmul.f32 v39, v39;
	v49 =	vmul.f32 v40, v40;
	v44 =	vadd.f32 v43, v44;
	v53 =	vld [tilespmem:s14+$0x410]  }
0x52: {  	v52 =	vmul.f32 v41, v41;
	v41 =	vadd.f32 v40, v41;
	v40 =	vmul.f32 v35, v35;
	v32 =	vld [tilespmem:s14+$0x820]  }
0x53: {  	v55 =	vadd.f32 v36, v46;
	v46 =	vmul.f32 v33, v33;
	v54 =	vmul.f32 v48, v48;
	v43 =	vld [tilespmem:s14+$0x470]  }
0x54: {  	v51 =	vmul.f32 v42, v42;
	v38 =	vadd.f32 v38, v41;
	v56 =	vmul.f32 v50, v50;
	v36 =	vld [tilespmem:s14+$0x440]  }
0x55: {  	v39 =	vadd.f32 v39, v42;
	v49 =	vadd.f32 v49, v52;
	v42 =	vld [tilespmem:s14+$0x830]  }
0x56: {  	v38 =	vadd.f32 v33, v38;
	v41 =	vadd.f32 v56, v54;
	v52 =	vmul.f32 v53, v53;
	v56 =	vld [tilespmem:s14+$0x800]  }
.Ltmp0:
0x57: {  	v47 =	vadd.f32 v47, v44;
	v33 =	vadd.f32 v35, v39;
	v44 =	vld [tilespmem:s14+$0x870];
	(pc) =	sbr.rel @p0 .LBB2_2-.Ltmp0, $4  }
0x58: {  	v39 =	vadd.f32 v52, v41;
	v41 =	vmul.f32 v34, v34;
	v52 =	vadd.f32 v43, v55;
	v35 =	vld [tilespmem:s14+$0x840]  }
0x59: {  	v54 =	vadd.f32 v50, v48;
	v55 =	vadd.f32 v36, v33;
	v48 =	vld [tilespmem:s14+$0x810]  }
0x5a: {  	v50 =	vadd.f32 v41, v39;
	v52 =	vadd.f32 v42, v52;
	v33 =	vld [tilespmem:s14+$0xC70]  }
0x5b: {  	v53 =	vadd.f32 v53, v54;
	v54 =	vadd.f32 v56, v55;
	v41 =	vmul.f32 v56, v56;
	v39 =	vld [tilespmem:s14+$0x850]  }
0x5c: {  	v45 =	vadd.f32 v45, v51;
	v37 =	vadd.f32 v37, v49;
	v43 =	vmul.f32 v43, v43  }
0x5d: {  	v49 =	vld [tilespmem:s14+$0xC30];
	v52 =	vadd.f32 v44, v52;
	v42 =	vmul.f32 v42, v42;
	v38 =	vadd.f32 v32, v38  }
0x5e: {  	v36 =	vmul.f32 v36, v36;
	v51 =	vadd.f32 v35, v54;
	v54 =	vld [tilespmem:s14+$0xC10];
	v34 =	vadd.f32 v34, v53  }
0x5f: {  	v53 =	vld [tilespmem:s14+$0x860];
	v37 =	vadd.f32 v46, v37;
	v57 =	vmul.f32 v48, v48;
	v43 =	vadd.f32 v43, v47  }
0x60: {  	v62 =	vmul.f32 v32, v32;
	v40 =	vadd.f32 v40, v45;
	v34 =	vadd.f32 v48, v34  }
0x61: {  	v45 =	vld [tilespmem:s14+$0xC50];
	v46 =	vadd.f32 v57, v50;
	v42 =	vadd.f32 v42, v43  }
0x62: {  	v48 =	vld [tilespmem:s14+$0xC00];
	v58 =	vmul.f32 v39, v39;
	v36 =	vadd.f32 v36, v40;
	v32 =	vadd.f32 v62, v37  }
0x63: {  	v63 =	vld [tilespmem:s14+$0xC20];
	v55 =	vmul.f32 v44, v44;
	v61 =	vadd.f32 v49, v52;
	v34 =	vadd.f32 v39, v34  }
0x64: {  	v59 =	vadd.f32 v58, v46;
	v60 =	vmul.f32 v54, v54;
	v38 =	vadd.f32 v53, v38  }
0x65: {  	v57 =	vmul.f32 v35, v35;
	v36 =	vadd.f32 v41, v36;
	v47 =	vadd.f32 v33, v61  }
0x66: {  	v50 =	vld [tilespmem:s14+$0xC40];
	v52 =	vmul.f32 v45, v45;
	v34 =	vadd.f32 v54, v34;
	v43 =	vadd.f32 v60, v59  }
0x67: {  	v56 =	vadd.f32 v48, v51;
	v59 =	vld [tilespmem:s14+$0xC60];
	v60 =	vmul.f32 v53, v53;
	v61 =	vmul.f32 v48, v48  }
0x68: {  	v35 =	vadd.f32 v57, v36;
	v62 =	vadd.f32 v63, v38;
	v63 =	vmul.f32 v63, v63  }
0x69: {  	v48 =	vmul.f32 v49, v49;
	v49 =	vadd.f32 v55, v42;
	v34 =	vadd.f32 v45, v34  }
0x6a: {  	v53 =	vmul.f32 v33, v33;
	v58 =	vadd.f32 v52, v43;
	v32 =	vadd.f32 v60, v32  }
0x6b: {  	v51 =	vmul.f32 v50, v50;
	v37 =	vadd.f32 v50, v56;
	v35 =	vadd.f32 v61, v35  }
0x6c: {  	v39 =	vadd.f32 v48, v49;
	v32 =	vadd.f32 v63, v32;
	v52 =	vmul.f32 v59, v59  }
0x6d: {  	v35 =	vadd.f32 v51, v35;
	v36 =	vadd.f32 v59, v62  }
0x6e: {  	v33 =	vadd.f32 v53, v39;
	v32 =	vadd.f32 v52, v32  }
0x6f: {  	v34 =	vadd.f32 v34, v37;
	v36 =	vadd.f32 v47, v36  }
0x70: {  	v35 =	vadd.f32 v58, v35;
	v32 =	vadd.f32 v33, v32  }
0x71: {  	v54 =	vadd.f32 v36, v34  }
0x72: {  	v32 =	vadd.f32 v32, v35  }
0x73: {  	[tilespmem:s12+$0x0] =	vst v54  }
0x74: {  	[tilespmem:s13+$0x0] =	vst v32  }
0x75: {  	v32 =	vld.idx.msk [tilespmem:v0+s7+$0x0], $0xffff;
	_ =	sdelay $0x1  }
0x76: {  	v33 =	vld.idx.msk [tilespmem:v1+s7+$0x0], $0xffff  }
0x77: {  	v55 =	vld.idx.msk [tilespmem:v0+s8+$0x0], $0xffff  }
0x78: {  	v56 =	vld.idx.msk [tilespmem:v2+s7+$0x0], $0xffff  }
0x79: {  	v57 =	vld.idx.msk [tilespmem:v1+s8+$0x0], $0xffff;
	v32 =	vadd.f32 $0.0e+00, v32  }
0x7a: {  	v58 =	vld.idx.msk [tilespmem:v3+s7+$0x0], $0xffff  }
0x7b: {  	v59 =	vld.idx.msk [tilespmem:v2+s8+$0x0], $0xffff;
	v32 =	vadd.f32 v33, v32  }
0x7c: {  	v60 =	vld.idx.msk [tilespmem:v4+s7+$0x0], $0xffff  }
0x7d: {  	v61 =	vld.idx.msk [tilespmem:v3+s8+$0x0], $0xffff;
	v34 =	vadd.f32 $0.0e+00, v55;
	v32 =	vadd.f32 v56, v32  }
0x7e: {  	v62 =	vld.idx.msk [tilespmem:v5+s7+$0x0], $0xffff  }
0x7f: {  	v63 =	vld.idx.msk [tilespmem:v4+s8+$0x0], $0xffff;
	v34 =	vadd.f32 v57, v34;
	v32 =	vadd.f32 v58, v32  }
0x80: {  	v42 =	vld.idx.msk [tilespmem:v6+s7+$0x0], $0xffff  }
0x81: {  	v43 =	vld.idx.msk [tilespmem:v5+s8+$0x0], $0xffff;
	v33 =	vadd.f32 v59, v34;
	v32 =	vadd.f32 v60, v32  }
0x82: {  	v44 =	vld.idx.msk [tilespmem:v7+s7+$0x0], $0xffff  }
0x83: {  	v45 =	vld.idx.msk [tilespmem:v6+s8+$0x0], $0xffff;
	v33 =	vadd.f32 v61, v33;
	v32 =	vadd.f32 v62, v32  }
0x84: {  	v46 =	vld.idx.msk [tilespmem:v8+s7+$0x0], $0xffff  }
0x85: {  	v47 =	vld.idx.msk [tilespmem:v7+s8+$0x0], $0xffff;
	v33 =	vadd.f32 v63, v33;
	v32 =	vadd.f32 v42, v32  }
0x86: {  	v48 =	vld.idx.msk [tilespmem:v9+s7+$0x0], $0xffff  }
0x87: {  	v49 =	vld.idx.msk [tilespmem:v8+s8+$0x0], $0xffff;
	v33 =	vadd.f32 v43, v33;
	v32 =	vadd.f32 v44, v32  }
0x88: {  	v50 =	vld.idx.msk [tilespmem:v10+s7+$0x0], $0xffff  }
0x89: {  	v51 =	vld.idx.msk [tilespmem:v9+s8+$0x0], $0xffff;
	v33 =	vadd.f32 v45, v33;
	v32 =	vadd.f32 v46, v32  }
0x8a: {  	v52 =	vld.idx.msk [tilespmem:v11+s7+$0x0], $0xffff  }
0x8b: {  	v53 =	vld.idx.msk [tilespmem:v10+s8+$0x0], $0xffff;
	v33 =	vadd.f32 v47, v33;
	v32 =	vadd.f32 v48, v32  }
0x8c: {  	v54 =	vld.idx.msk [tilespmem:v12+s7+$0x0], $0xffff  }
0x8d: {  	v55 =	vld.idx.msk [tilespmem:v11+s8+$0x0], $0xffff;
	v33 =	vadd.f32 v49, v33;
	v32 =	vadd.f32 v50, v32  }
0x8e: {  	v56 =	vld.idx.msk [tilespmem:v13+s7+$0x0], $0xffff  }
0x8f: {  	v57 =	vld.idx.msk [tilespmem:v12+s8+$0x0], $0xffff;
	v33 =	vadd.f32 v51, v33;
	v32 =	vadd.f32 v52, v32  }
0x90: {  	v58 =	vld.idx.msk [tilespmem:v14+s7+$0x0], $0xffff  }
0x91: {  	v59 =	vld.idx.msk [tilespmem:v13+s8+$0x0], $0xffff;
	v33 =	vadd.f32 v53, v33;
	v32 =	vadd.f32 v54, v32  }
0x92: {  	v60 =	vld.idx.msk [tilespmem:v15+s7+$0x0], $0xffff  }
0x93: {  	v33 =	vadd.f32 v55, v33;
	v32 =	vadd.f32 v56, v32  }
0x94: {  	v61 =	vld.idx.msk [tilespmem:v14+s8+$0x0], $0xffff  }
0x95: {  	v33 =	vadd.f32 v57, v33;
	v32 =	vadd.f32 v58, v32  }
0x96: {  	v62 =	vld.idx.msk [tilespmem:v15+s8+$0x0], $0xffff  }
0x97: {  	v33 =	vadd.f32 v59, v33;
	v32 =	vadd.f32 v60, v32;
	_ =	sdelay $0x1  }
0x98: {  	v33 =	vadd.f32 v61, v33;
	v32 =	vmul.f32 v32, v32;
	_ =	sdelay $0x1  }
0x99: {  	v33 =	vadd.f32 v62, v33;
	v32 =	vmul.f32 $1.953125000e-03, v32;
	_ =	sdelay $0x1  }
0x9a: {  	v32 =	vsub.f32 v33, v32;
	_ =	sdelay $0x1  }
0x9b: {  	v32 =	vmul.f32 $1.956947150e-03, v32;
	_ =	sdelay $0x1  }
0x9c: {  	[tilespmem:$0x8800] =	vst v32  }
0x9d: {  	v32 =	vld.idx.msk [tilespmem:v16+s7+$0x0], $0xffff;
	_ =	sdelay $0x1  }
0x9e: {  	v63 =	vld.idx.msk [tilespmem:v17+s7+$0x0], $0xffff  }
0x9f: {  	v40 =	vld.idx.msk [tilespmem:v16+s8+$0x0], $0xffff  }
0xa0: {  	v41 =	vld.idx.msk [tilespmem:v18+s7+$0x0], $0xffff  }
0xa1: {  	v42 =	vld.idx.msk [tilespmem:v17+s8+$0x0], $0xffff;
	v32 =	vadd.f32 $0.0e+00, v32  }
0xa2: {  	v43 =	vld.idx.msk [tilespmem:v19+s7+$0x0], $0xffff  }
0xa3: {  	v44 =	vld.idx.msk [tilespmem:v18+s8+$0x0], $0xffff;
	v32 =	vadd.f32 v63, v32  }
0xa4: {  	v45 =	vld.idx.msk [tilespmem:v20+s7+$0x0], $0xffff  }
0xa5: {  	v46 =	vld.idx.msk [tilespmem:v19+s8+$0x0], $0xffff;
	v34 =	vadd.f32 $0.0e+00, v40;
	v32 =	vadd.f32 v41, v32  }
0xa6: {  	v47 =	vld.idx.msk [tilespmem:v21+s7+$0x0], $0xffff  }
0xa7: {  	v48 =	vld.idx.msk [tilespmem:v20+s8+$0x0], $0xffff;
	v34 =	vadd.f32 v42, v34;
	v32 =	vadd.f32 v43, v32  }
0xa8: {  	v49 =	vld.idx.msk [tilespmem:v22+s7+$0x0], $0xffff  }
0xa9: {  	v50 =	vld.idx.msk [tilespmem:v21+s8+$0x0], $0xffff;
	v33 =	vadd.f32 v44, v34;
	v32 =	vadd.f32 v45, v32  }
0xaa: {  	v51 =	vld.idx.msk [tilespmem:v23+s7+$0x0], $0xffff  }
0xab: {  	v52 =	vld.idx.msk [tilespmem:v22+s8+$0x0], $0xffff;
	v33 =	vadd.f32 v46, v33;
	v32 =	vadd.f32 v47, v32  }
0xac: {  	v53 =	vld.idx.msk [tilespmem:v24+s7+$0x0], $0xffff  }
0xad: {  	v54 =	vld.idx.msk [tilespmem:v23+s8+$0x0], $0xffff;
	v33 =	vadd.f32 v48, v33;
	v32 =	vadd.f32 v49, v32  }
0xae: {  	v55 =	vld.idx.msk [tilespmem:v25+s7+$0x0], $0xffff  }
0xaf: {  	v56 =	vld.idx.msk [tilespmem:v24+s8+$0x0], $0xffff;
	v33 =	vadd.f32 v50, v33;
	v32 =	vadd.f32 v51, v32  }
0xb0: {  	v57 =	vld.idx.msk [tilespmem:v26+s7+$0x0], $0xffff  }
0xb1: {  	v58 =	vld.idx.msk [tilespmem:v25+s8+$0x0], $0xffff;
	v33 =	vadd.f32 v52, v33;
	v32 =	vadd.f32 v53, v32  }
0xb2: {  	v59 =	vld.idx.msk [tilespmem:v27+s7+$0x0], $0xffff  }
0xb3: {  	v60 =	vld.idx.msk [tilespmem:v26+s8+$0x0], $0xffff;
	v33 =	vadd.f32 v54, v33;
	v32 =	vadd.f32 v55, v32  }
0xb4: {  	v61 =	vld.idx.msk [tilespmem:v28+s7+$0x0], $0xffff  }
0xb5: {  	v62 =	vld.idx.msk [tilespmem:v27+s8+$0x0], $0xffff;
	v33 =	vadd.f32 v56, v33;
	v32 =	vadd.f32 v57, v32  }
0xb6: {  	v63 =	vld.idx.msk [tilespmem:v29+s7+$0x0], $0xffff  }
0xb7: {  	v42 =	vld.idx.msk [tilespmem:v28+s8+$0x0], $0xffff;
	v33 =	vadd.f32 v58, v33;
	v32 =	vadd.f32 v59, v32  }
0xb8: {  	v43 =	vld.idx.msk [tilespmem:v30+s7+$0x0], $0xffff  }
0xb9: {  	v44 =	vld.idx.msk [tilespmem:v29+s8+$0x0], $0xffff;
	v33 =	vadd.f32 v60, v33;
	v32 =	vadd.f32 v61, v32  }
0xba: {  	v45 =	vld.idx.msk [tilespmem:v31+s7+$0x0], $0xffff  }
0xbb: {  	v33 =	vadd.f32 v62, v33;
	v32 =	vadd.f32 v63, v32  }
0xbc: {  	v46 =	vld.idx.msk [tilespmem:v30+s8+$0x0], $0xffff  }
0xbd: {  	v33 =	vadd.f32 v42, v33;
	v32 =	vadd.f32 v43, v32  }
0xbe: {  	v47 =	vld.idx.msk [tilespmem:v31+s8+$0x0], $0xffff  }
0xbf: {  	v33 =	vadd.f32 v44, v33;
	v32 =	vadd.f32 v45, v32;
	_ =	sdelay $0x1  }
0xc0: {  	v33 =	vadd.f32 v46, v33;
	v32 =	vmul.f32 v32, v32;
	_ =	sdelay $0x1  }
0xc1: {  	v33 =	vadd.f32 v47, v33;
	v32 =	vmul.f32 $1.953125000e-03, v32;
	_ =	sdelay $0x1  }
0xc2: {  	v48 =	vor.u32 $0x200, v0;
	v32 =	vsub.f32 v33, v32;
	_ =	sdelay $0x1  }
0xc3: {  	v49 =	vor.u32 $0x201, v0;
	v32 =	vmul.f32 $1.956947150e-03, v32;
	_ =	sdelay $0x1  }
0xc4: {  	v50 =	vor.u32 $0x202, v0;
	[tilespmem:$0x8810] =	vst v32  }
0xc5: {  	v51 =	vld.idx.msk [tilespmem:v48+s7+$0x0], $0xffff  }
0xc6: {  	v52 =	vor.u32 $0x203, v0  }
0xc7: {  	v53 =	vld.idx.msk [tilespmem:v49+s7+$0x0], $0xffff  }
0xc8: {  	v54 =	vor.u32 $0x204, v0;
	v33 =	vld.idx.msk [tilespmem:v48+s8+$0x0], $0xffff  }
0xc9: {  	v55 =	vld.idx.msk [tilespmem:v50+s7+$0x0], $0xffff  }
0xca: {  	v56 =	vor.u32 $0x205, v0;
	v34 =	vld.idx.msk [tilespmem:v49+s8+$0x0], $0xffff;
	v35 =	vadd.f32 $0.0e+00, v51  }
0xcb: {  	v57 =	vld.idx.msk [tilespmem:v52+s7+$0x0], $0xffff  }
0xcc: {  	v58 =	vor.u32 $0x206, v0;
	v32 =	vld.idx.msk [tilespmem:v50+s8+$0x0], $0xffff;
	v35 =	vadd.f32 v53, v35  }
0xcd: {  	v59 =	vld.idx.msk [tilespmem:v54+s7+$0x0], $0xffff  }
0xce: {  	v60 =	vor.u32 $0x207, v0;
	v36 =	vld.idx.msk [tilespmem:v52+s8+$0x0], $0xffff;
	v33 =	vadd.f32 $0.0e+00, v33;
	v35 =	vadd.f32 v55, v35  }
0xcf: {  	v61 =	vld.idx.msk [tilespmem:v56+s7+$0x0], $0xffff  }
0xd0: {  	v45 =	vor.u32 $0x208, v0;
	v63 =	vld.idx.msk [tilespmem:v54+s8+$0x0], $0xffff;
	v33 =	vadd.f32 v34, v33;
	v62 =	vadd.f32 v57, v35  }
0xd1: {  	v46 =	vld.idx.msk [tilespmem:v58+s7+$0x0], $0xffff  }
0xd2: {  	v48 =	vld.idx.msk [tilespmem:v56+s8+$0x0], $0xffff;
	v49 =	vor.u32 $0x209, v0;
	v32 =	vadd.f32 v32, v33;
	v47 =	vadd.f32 v59, v62  }
0xd3: {  	v50 =	vld.idx.msk [tilespmem:v60+s7+$0x0], $0xffff  }
0xd4: {  	v52 =	vor.u32 $0x20A, v0;
	v51 =	vld.idx.msk [tilespmem:v58+s8+$0x0], $0xffff;
	v32 =	vadd.f32 v36, v32;
	v33 =	vadd.f32 v61, v47  }
0xd5: {  	v53 =	vld.idx.msk [tilespmem:v45+s7+$0x0], $0xffff  }
0xd6: {  	v54 =	vld.idx.msk [tilespmem:v60+s8+$0x0], $0xffff;
	v55 =	vor.u32 $0x20B, v0;
	v32 =	vadd.f32 v63, v32;
	v33 =	vadd.f32 v46, v33  }
0xd7: {  	v56 =	vld.idx.msk [tilespmem:v49+s7+$0x0], $0xffff  }
0xd8: {  	v58 =	vor.u32 $0x20C, v0;
	v57 =	vld.idx.msk [tilespmem:v45+s8+$0x0], $0xffff;
	v32 =	vadd.f32 v48, v32;
	v33 =	vadd.f32 v50, v33  }
0xd9: {  	v59 =	vld.idx.msk [tilespmem:v52+s7+$0x0], $0xffff  }
0xda: {  	v60 =	vld.idx.msk [tilespmem:v49+s8+$0x0], $0xffff;
	v61 =	vor.u32 $0x20D, v0;
	v32 =	vadd.f32 v51, v32;
	v33 =	vadd.f32 v53, v33  }
0xdb: {  	v45 =	vor.u32 $0x20E, v0;
	v62 =	vld.idx.msk [tilespmem:v55+s7+$0x0], $0xffff  }
0xdc: {  	v63 =	vld.idx.msk [tilespmem:v52+s8+$0x0], $0xffff;
	v32 =	vadd.f32 v54, v32;
	v33 =	vadd.f32 v56, v33  }
0xdd: {  	v46 =	vld.idx.msk [tilespmem:v58+s7+$0x0], $0xffff  }
0xde: {  	v47 =	vld.idx.msk [tilespmem:v55+s8+$0x0], $0xffff;
	v48 =	vor.u32 $0x20F, v0;
	v32 =	vadd.f32 v57, v32;
	v33 =	vadd.f32 v59, v33  }
0xdf: {  	v49 =	vld.idx.msk [tilespmem:v61+s7+$0x0], $0xffff  }
0xe0: {  	v51 =	vld.idx.msk [tilespmem:v45+s7+$0x0], $0xffff;
	v32 =	vadd.f32 v60, v32;
	v33 =	vadd.f32 v62, v33  }
0xe1: {  	v50 =	vld.idx.msk [tilespmem:v58+s8+$0x0], $0xffff  }
0xe2: {  	v52 =	vld.idx.msk [tilespmem:v61+s8+$0x0], $0xffff;
	v32 =	vadd.f32 v63, v32;
	v33 =	vadd.f32 v46, v33  }
0xe3: {  	v53 =	vld.idx.msk [tilespmem:v48+s7+$0x0], $0xffff  }
0xe4: {  	v32 =	vadd.f32 v47, v32;
	v33 =	vadd.f32 v49, v33  }
0xe5: {  	v54 =	vld.idx.msk [tilespmem:v45+s8+$0x0], $0xffff  }
0xe6: {  	v32 =	vadd.f32 v50, v32;
	v33 =	vadd.f32 v51, v33  }
0xe7: {  	v55 =	vld.idx.msk [tilespmem:v48+s8+$0x0], $0xffff  }
0xe8: {  	v32 =	vadd.f32 v52, v32;
	v33 =	vadd.f32 v53, v33;
	_ =	sdelay $0x1  }
0xe9: {  	v32 =	vadd.f32 v54, v32;
	v33 =	vmul.f32 v33, v33;
	_ =	sdelay $0x1  }
0xea: {  	v32 =	vadd.f32 v55, v32;
	v33 =	vmul.f32 $1.953125000e-03, v33;
	_ =	sdelay $0x1  }
0xeb: {  	v56 =	vor.u32 $0x300, v0;
	v32 =	vsub.f32 v32, v33;
	_ =	sdelay $0x1  }
0xec: {  	v57 =	vor.u32 $0x301, v0;
	v32 =	vmul.f32 $1.956947150e-03, v32;
	_ =	sdelay $0x1  }
0xed: {  	v58 =	vor.u32 $0x302, v0;
	[tilespmem:$0x8820] =	vst v32  }
0xee: {  	v59 =	vld.idx.msk [tilespmem:v56+s7+$0x0], $0xffff  }
0xef: {  	v60 =	vor.u32 $0x303, v0  }
0xf0: {  	v61 =	vld.idx.msk [tilespmem:v57+s7+$0x0], $0xffff  }
0xf1: {  	v62 =	vor.u32 $0x304, v0;
	v33 =	vld.idx.msk [tilespmem:v56+s8+$0x0], $0xffff  }
0xf2: {  	v63 =	vld.idx.msk [tilespmem:v58+s7+$0x0], $0xffff  }
0xf3: {  	v45 =	vor.u32 $0x305, v0;
	v34 =	vld.idx.msk [tilespmem:v57+s8+$0x0], $0xffff;
	v35 =	vadd.f32 $0.0e+00, v59  }
0xf4: {  	v46 =	vld.idx.msk [tilespmem:v60+s7+$0x0], $0xffff  }
0xf5: {  	v47 =	vor.u32 $0x306, v0;
	v32 =	vld.idx.msk [tilespmem:v58+s8+$0x0], $0xffff;
	v35 =	vadd.f32 v61, v35  }
0xf6: {  	v48 =	vld.idx.msk [tilespmem:v62+s7+$0x0], $0xffff  }
0xf7: {  	v49 =	vor.u32 $0x307, v0;
	v36 =	vld.idx.msk [tilespmem:v60+s8+$0x0], $0xffff;
	v33 =	vadd.f32 $0.0e+00, v33;
	v35 =	vadd.f32 v63, v35  }
0xf8: {  	v50 =	vld.idx.msk [tilespmem:v45+s7+$0x0], $0xffff  }
0xf9: {  	v53 =	vor.u32 $0x308, v0;
	v52 =	vld.idx.msk [tilespmem:v62+s8+$0x0], $0xffff;
	v33 =	vadd.f32 v34, v33;
	v51 =	vadd.f32 v46, v35  }
0xfa: {  	v54 =	vld.idx.msk [tilespmem:v47+s7+$0x0], $0xffff  }
0xfb: {  	v56 =	vld.idx.msk [tilespmem:v45+s8+$0x0], $0xffff;
	v57 =	vor.u32 $0x309, v0;
	v32 =	vadd.f32 v32, v33;
	v55 =	vadd.f32 v48, v51  }
0xfc: {  	v58 =	vld.idx.msk [tilespmem:v49+s7+$0x0], $0xffff  }
0xfd: {  	v60 =	vor.u32 $0x30A, v0;
	v59 =	vld.idx.msk [tilespmem:v47+s8+$0x0], $0xffff;
	v32 =	vadd.f32 v36, v32;
	v33 =	vadd.f32 v50, v55  }
0xfe: {  	v61 =	vld.idx.msk [tilespmem:v53+s7+$0x0], $0xffff  }
0xff: {  	v62 =	vld.idx.msk [tilespmem:v49+s8+$0x0], $0xffff;
	v63 =	vor.u32 $0x30B, v0;
	v32 =	vadd.f32 v52, v32;
	v33 =	vadd.f32 v54, v33  }
0x100: {  	v45 =	vld.idx.msk [tilespmem:v57+s7+$0x0], $0xffff  }
0x101: {  	v47 =	vor.u32 $0x30C, v0;
	v46 =	vld.idx.msk [tilespmem:v53+s8+$0x0], $0xffff;
	v32 =	vadd.f32 v56, v32;
	v33 =	vadd.f32 v58, v33  }
0x102: {  	v48 =	vld.idx.msk [tilespmem:v60+s7+$0x0], $0xffff  }
0x103: {  	v49 =	vld.idx.msk [tilespmem:v57+s8+$0x0], $0xffff;
	v50 =	vor.u32 $0x30D, v0;
	v32 =	vadd.f32 v59, v32;
	v33 =	vadd.f32 v61, v33  }
0x104: {  	v53 =	vor.u32 $0x30E, v0;
	v51 =	vld.idx.msk [tilespmem:v63+s7+$0x0], $0xffff  }
0x105: {  	v52 =	vld.idx.msk [tilespmem:v60+s8+$0x0], $0xffff;
	v32 =	vadd.f32 v62, v32;
	v33 =	vadd.f32 v45, v33  }
0x106: {  	v54 =	vld.idx.msk [tilespmem:v47+s7+$0x0], $0xffff  }
0x107: {  	v55 =	vld.idx.msk [tilespmem:v63+s8+$0x0], $0xffff;
	v56 =	vor.u32 $0x30F, v0;
	v32 =	vadd.f32 v46, v32;
	v33 =	vadd.f32 v48, v33  }
0x108: {  	v57 =	vld.idx.msk [tilespmem:v50+s7+$0x0], $0xffff  }
0x109: {  	v59 =	vld.idx.msk [tilespmem:v53+s7+$0x0], $0xffff;
	v32 =	vadd.f32 v49, v32;
	v33 =	vadd.f32 v51, v33  }
0x10a: {  	v58 =	vld.idx.msk [tilespmem:v47+s8+$0x0], $0xffff  }
0x10b: {  	v60 =	vld.idx.msk [tilespmem:v50+s8+$0x0], $0xffff;
	v32 =	vadd.f32 v52, v32;
	v33 =	vadd.f32 v54, v33  }
0x10c: {  	v61 =	vld.idx.msk [tilespmem:v56+s7+$0x0], $0xffff  }
0x10d: {  	v32 =	vadd.f32 v55, v32;
	v33 =	vadd.f32 v57, v33  }
0x10e: {  	v62 =	vld.idx.msk [tilespmem:v53+s8+$0x0], $0xffff  }
0x10f: {  	v32 =	vadd.f32 v58, v32;
	v33 =	vadd.f32 v59, v33  }
0x110: {  	v63 =	vld.idx.msk [tilespmem:v56+s8+$0x0], $0xffff  }
0x111: {  	v32 =	vadd.f32 v60, v32;
	v33 =	vadd.f32 v61, v33;
	_ =	sdelay $0x1  }
0x112: {  	v32 =	vadd.f32 v62, v32;
	v33 =	vmul.f32 v33, v33;
	_ =	sdelay $0x1  }
0x113: {  	v32 =	vadd.f32 v63, v32;
	v33 =	vmul.f32 $1.953125000e-03, v33;
	_ =	sdelay $0x1  }
0x114: {  	v32 =	vsub.f32 v32, v33;
	_ =	sdelay $0x1  }
0x115: {  	s11 =	sadd.s32 $0x1, s11;
	v32 =	vmul.f32 $1.956947150e-03, v32  }
0x116: {  	p0 =	sne.s32 s11, s5  }
.Ltmp1:
0x117: {  	[tilespmem:$0x8830] =	vst v32;
	(pc) =	sbr.rel @p0 .LBB2_1-.Ltmp1, $4  }
0x118: {  	[hbm4b:s4+s2] =	stream.linear.scatter [tilespmem:s9], [sflag:$0x2], $0x40, $0x38;
	[tilespmem:$0x8880] =	vst v63  }
0x119: {  	_ =	swait.ge [sflag:s10], $0x40  }
0x11a: {  	[sflag:s10] =	ssyncset.done $0x0  }
0x11b: {  	[sflag:s10] =	ssyncadd.s32 $0xFFFFFFC0  }
0x11c: {  	_ =	sfence.sel $0x180000  }
0x11d: {  	[bflag:$0x0] =	sbarrier.arrive $0xFFFF  }
0x11e: {  	p0 =	sne.s32 s1, $0x0;
	_ =	strace $0x90000047  }
0x11f: {  	s0 =	sadd.s32 @!p0 $0x100000, s0;
	[bflag:$0x2] =	sbarrier.arrive $0xFFFF  }
0x120: {  	[sflag:s0] =	ssyncadd.tile.s32 @!p0 $0x1;
	_ =	shalt  }
.Lfunc_end2:
_tile_overlayer_lowered:
.L_overlay_start_2:
0x121: {  	(tag) =	ssettag $0x2  }
0x122: {  	s0 =	rddreg [dreg:$0x0];
	s2 =	stileid.u32  }
0x123: {  	s1 =	rddreg [dreg:$0x1];
	p0 =	sne.s32 s2, $0x0  }
0x124: {  	s3 =	rddreg [dreg:$0x2];
	[bflag:$0x3] =	sbarrier.arrive $0xFFFF;
	s2 =	simm.s32 @!p0 $0x1C02  }
0x125: {  	[timem:s3], [sflag:s2] =	dma.local @!p0 [hbm:s0], s1  }
0x126: {  	s0 =	simm.s32 @!p0 $0x2  }
0x127: {  	_ =	swait.ge @!p0 [sflag:s0], s1  }
0x128: {  	s1 =	ssub.s32 @!p0 $0x0, s1;
	[sflag:s0] =	ssyncset.done @!p0 $0x0  }
0x129: {  	[sflag:s0] =	ssyncadd.s32 @!p0 s1  }
0x12a: {  	[bflag:$0x3] =	sbarrier.arrive $0xFFFF  }
0x12b: {  	_ =	shalt  }

</sc_bundles>
